<compile_context>
chip_gen: v7x
topology: tpu7x:2x2x1
jax: 0.10.2.dev20260603
libtpu: 0.0.44.dev20260713+nightly
codegen_flags: <defaults>
</compile_context>

<pallas_src>
import functools

import jax
import jax.numpy as jnp
from jax import lax
from jax.experimental import pallas as pl
from jax.experimental.pallas import tpu as pltpu
from jax.experimental.pallas import tpu_sc as plsc

NC = 2
NS = 16
NW = NC * NS
L = 128


def _mesh():
    return plsc.VectorSubcoreMesh(
        core_axis_name="c", subcore_axis_name="s", num_cores=NC,
        num_subcores=NS)


def _sc_deg_body(NP, NPT, CH, col_hbm, deg_out, colv, onesv, zbuf, deg_sh):
    c = lax.axis_index("c")
    s = lax.axis_index("s")
    wid = s * NC + c

    def _zloop(i, carry):
        zbuf[pl.ds(i * 16, 16)] = jnp.zeros((16,), jnp.float32)
        return carry
    lax.fori_loop(0, zbuf.shape[0] // 16, _zloop, 0)

    def _oloop(i, carry):
        onesv[pl.ds(i * 16, 16)] = jnp.ones((16,), jnp.float32)
        return carry
    lax.fori_loop(0, L // 16, _oloop, 0)

    pltpu.sync_copy(zbuf.at[pl.ds(0, NPT)], deg_sh.at[pl.ds(s * NPT, NPT)])
    pltpu.sync_copy(col_hbm.at[wid], colv)
    plsc.subcore_barrier()

    def _eloop(j, carry):
        pltpu.sync_copy(onesv, deg_sh.at[colv.at[j]], add=True)
        return carry
    lax.fori_loop(0, CH, _eloop, 0)

    plsc.subcore_barrier()
    pltpu.sync_copy(deg_sh.at[pl.ds(s * NPT, NPT)], zbuf.at[pl.ds(0, NPT)])
    pltpu.sync_copy(zbuf.at[pl.ds(0, NPT)], deg_out.at[c, pl.ds(s * NPT, NPT)])


def _sc_agg_body(NP, NPT, CH, D, row_hbm, col_hbm, g_hbm, zrows_hbm, acc_out,
                 rowv, colv, gbuf, stage, acc_sh, sem):
    c = lax.axis_index("c")
    s = lax.axis_index("s")
    wid = s * NC + c

    pltpu.sync_copy(zrows_hbm, acc_sh.at[pl.ds(s * NPT, NPT)])
    pltpu.sync_copy(row_hbm.at[wid], rowv)
    pltpu.sync_copy(col_hbm.at[wid], colv)
    plsc.subcore_barrier()

    def _eloop(j, carry):
        pltpu.async_copy(g_hbm.at[rowv.at[j]], gbuf, sem).wait()
        pltpu.sync_copy(gbuf, acc_sh.at[colv.at[j]], add=True)
        return carry
    lax.fori_loop(0, CH, _eloop, 0)

    plsc.subcore_barrier()
    nblk = NPT // stage.shape[0]
    def _wloop(q, carry):
        base = s * NPT + q * stage.shape[0]
        pltpu.sync_copy(acc_sh.at[pl.ds(base, stage.shape[0])], stage)
        pltpu.sync_copy(stage, acc_out.at[c, pl.ds(base, stage.shape[0])])
        return carry
    lax.fori_loop(0, nblk, _wloop, 0)


def _tc_g_body(xb, wref, degp, gout):
    h = lax.dot_general(xb[...], wref[...], (((1,), (1,)), ((), ())),
                        preferred_element_type=jnp.float32)
    deg = 1.0 + degp[0] + degp[1]
    dis = lax.rsqrt(deg)
    gout[...] = h * dis[:, None]


def _tc_out_body(accp, gb, degp, bref, outb):
    a = accp[0] + accp[1] + gb[...]
    deg = 1.0 + degp[0] + degp[1]
    dis = lax.rsqrt(deg)
    outb[...] = dis[:, None] * a + bref[...]


def kernel(x, edge_index, batch, W, b):
    N, D_in = x.shape
    D = W.shape[0]
    E = edge_index.shape[1]

    CH = -(-E // (NW * L))
    Epad = NW * CH * L
    NP = -(-(N + 1) // (NS * 80)) * (NS * 80)
    NPT = NP // NS
    BN = 1280
    GRID = NP // BN

    row = edge_index[0]
    col = edge_index[1]
    pad_e = Epad - E
    rowp = jnp.concatenate([row, jnp.zeros((pad_e,), jnp.int32)]
                           ).reshape(NW, CH, L)
    colp = jnp.concatenate([col, jnp.full((pad_e,), N, jnp.int32)]
                           ).reshape(NW, CH, L)
    xp = jnp.concatenate([x, jnp.zeros((NP - N, D_in), x.dtype)])
    zrows = jnp.zeros((NPT, D), jnp.float32)

    deg_call = pl.kernel(
        functools.partial(_sc_deg_body, NP, NPT, CH),
        out_type=jax.ShapeDtypeStruct((NC, NP), jnp.float32),
        mesh=_mesh(),
        scratch_types=[
            pltpu.VMEM((CH, L), jnp.int32),
            pltpu.VMEM((L,), jnp.float32),
            pltpu.VMEM((((NPT + 15) // 16) * 16,), jnp.float32),
            pltpu.VMEM_SHARED((NP,), jnp.float32),
        ],
    )
    degp = deg_call(colp)

    g = pl.pallas_call(
        _tc_g_body,
        grid=(GRID,),
        in_specs=[
            pl.BlockSpec((BN, D_in), lambda i: (i, 0)),
            pl.BlockSpec((D, D_in), lambda i: (0, 0)),
            pl.BlockSpec((NC, BN), lambda i: (0, i)),
        ],
        out_specs=pl.BlockSpec((BN, D), lambda i: (i, 0)),
        out_shape=jax.ShapeDtypeStruct((NP, D), jnp.float32),
    )(xp, W, degp)

    agg_call = pl.kernel(
        functools.partial(_sc_agg_body, NP, NPT, CH, D),
        out_type=jax.ShapeDtypeStruct((NC, NP, D), jnp.float32),
        mesh=_mesh(),
        scratch_types=[
            pltpu.VMEM((CH, L), jnp.int32),
            pltpu.VMEM((CH, L), jnp.int32),
            pltpu.VMEM((L, D), jnp.float32),
            pltpu.VMEM((NPT // 8, D), jnp.float32),
            pltpu.VMEM_SHARED((NP, D), jnp.float32),
            pltpu.SemaphoreType.DMA,
        ],
    )
    accp = agg_call(rowp, colp, g, zrows)

    outp = pl.pallas_call(
        _tc_out_body,
        grid=(GRID,),
        in_specs=[
            pl.BlockSpec((NC, BN, D), lambda i: (0, i, 0)),
            pl.BlockSpec((BN, D), lambda i: (i, 0)),
            pl.BlockSpec((NC, BN), lambda i: (0, i)),
            pl.BlockSpec((1, D), lambda i: (0, 0)),
        ],
        out_specs=pl.BlockSpec((BN, D), lambda i: (i, 0)),
        out_shape=jax.ShapeDtypeStruct((NP, D), jnp.float32),
    )(accp, g, degp, b.reshape(1, D))

    return outp[:N]

# --- scband reference (transcript-rebuilt; emitter-appended) ---
"""Pipeline reference for scband-gcnlayer-53326313947257 (READ-ONLY COPY).

The authoritative reference and input builder live on the scoring server;
editing this copy changes nothing except your own understanding.
"""

import jax, jax.numpy as jnp
import numpy as np

N = 10000
E = 320000
D_IN = 128
D_OUT = 128

def setup_inputs(seed: int = 0) -> dict:
    key = jax.random.key(seed)
    k1, k2, k3 = jax.random.split(key, 3)
    x = jax.random.normal(k1, (N, D_IN), dtype=jnp.float32)
    edge_index = jax.random.randint(k2, (2, E), 0, N, dtype=jnp.int32)
    batch = jnp.zeros((N,), dtype=jnp.int32)
    # GCNConv parameters: lin weight [out, in], bias [out]
    W = jax.random.normal(k3, (D_OUT, D_IN), dtype=jnp.float32) * 0.05
    b = jnp.zeros((D_OUT,), dtype=jnp.float32)
    return {"x": x, "edge_index": edge_index, "batch": batch, "W": W, "b": b}

def reference(x, edge_index, batch, W, b):
    # Faithful GCNConv: add self-loops, symmetric normalization, linear, scatter-add aggregate
    n = x.shape[0]
    loop = jnp.arange(n, dtype=edge_index.dtype)
    row = jnp.concatenate([edge_index[0], loop])  # source nodes
    col = jnp.concatenate([edge_index[1], loop])  # destination nodes
    edge_weight = jnp.ones((row.shape[0],), dtype=x.dtype)
    deg = jnp.zeros((n,), dtype=x.dtype).at[col].add(edge_weight)
    deg_inv_sqrt = jnp.where(deg > 0, deg ** -0.5, 0.0)
    norm = deg_inv_sqrt[row] * deg_inv_sqrt[col]
    h = x @ W.T
    msg = h[row] * norm[:, None]
    out = jnp.zeros((n, h.shape[1]), dtype=h.dtype).at[col].add(msg)
    return out + b

if __name__ == "__main__":
    import jax
    _d = setup_inputs()
    print(jax.jit(kernel)(*tuple(_d.values())))

</pallas_src>

<mosaic_0001>
#map = affine_map<(d0, d1) -> (0, 0, 0)>
#map1 = affine_map<(d0, d1) -> (0, 0)>
module attributes {stable_mosaic.version = 14 : i64} {
  func.func @_sc_deg_body(%arg0: i32, %arg1: i32, %arg2: memref<32x79x128xi32, #tpu.memory_space<hbm>>, %arg3: memref<2x10240xf32, #tpu.memory_space<hbm>>, %arg4: memref<79x128xi32, #tpu.memory_space<vmem>>, %arg5: memref<128xf32, #tpu.memory_space<vmem>>, %arg6: memref<640xf32, #tpu.memory_space<vmem>>, %arg7: memref<10240xf32, #tpu.memory_space<vmem_shared>>) attributes {dimension_semantics = [#tpu.dimension_semantics<core_parallel>, #tpu.dimension_semantics<subcore_parallel>], iteration_bounds = array<i64: 2, 16>, scalar_prefetch = 0 : i64, scratch_operands = 4 : i64, tpu.core_type = #tpu.core_type<sc_vector_subcore>, window_params = [{transform_indices = #map}, {transform_indices = #map1}]} {
    %mul3A = arith.constant 2 : i32
    %mul3A_0 = arith.muli %arg1, %mul3A : i32
    %add3A = arith.addi %mul3A_0, %arg0 : i32
    %scan3A = arith.constant 0 : i32
    %scan3A_1 = arith.constant 0 : i32
    %scan3A_2 = arith.constant 40 : i32
    %scan3A_3 = arith.addi %scan3A_1, %scan3A_2 : i32
    %scan3A_4 = arith.constant 1 : i32
    scf.for %scan3A_25 = %scan3A_1 to %scan3A_3 step %scan3A_4  : i32 {
      %broadcast_in_dim3A = arith.constant 0.000000e+00 : f32
      %broadcast_in_dim3A_26 = vector.broadcast %broadcast_in_dim3A : f32 to vector<16xf32>
      %mul3A_27 = arith.constant 16 : i32
      %mul3A_28 = arith.muli %scan3A_25, %mul3A_27 : i32
      %swap3A = arith.index_cast %mul3A_28 : i32 to index
      %swap3A_29 = tpu.vector_load %arg6[%swap3A] {strides = array<i32>} : memref<640xf32, #tpu.memory_space<vmem>>, vector<16xf32>,
      %swap3A_30 = vector.shape_cast %swap3A_29 : vector<16xf32> to vector<16xf32>
      %swap3A_31 = vector.shape_cast %broadcast_in_dim3A_26 : vector<16xf32> to vector<16xf32>
      tpu.vector_store %arg6[%swap3A], %swap3A_31 {strides = array<i32>} : memref<640xf32, #tpu.memory_space<vmem>>, vector<16xf32>,
    }
    %scan3A_5 = arith.constant 40 : i32
    %scan3A_6 = arith.constant 0 : i32
    %scan3A_7 = arith.constant 0 : i32
    %scan3A_8 = arith.constant 8 : i32
    %scan3A_9 = arith.addi %scan3A_7, %scan3A_8 : i32
    %scan3A_10 = arith.constant 1 : i32
    scf.for %scan3A_25 = %scan3A_7 to %scan3A_9 step %scan3A_10  : i32 {
      %broadcast_in_dim3A = arith.constant 1.000000e+00 : f32
      %broadcast_in_dim3A_26 = vector.broadcast %broadcast_in_dim3A : f32 to vector<16xf32>
      %mul3A_27 = arith.constant 16 : i32
      %mul3A_28 = arith.muli %scan3A_25, %mul3A_27 : i32
      %swap3A = arith.index_cast %mul3A_28 : i32 to index
      %swap3A_29 = tpu.vector_load %arg5[%swap3A] {strides = array<i32>} : memref<128xf32, #tpu.memory_space<vmem>>, vector<16xf32>,
      %swap3A_30 = vector.shape_cast %swap3A_29 : vector<16xf32> to vector<16xf32>
      %swap3A_31 = vector.shape_cast %broadcast_in_dim3A_26 : vector<16xf32> to vector<16xf32>
      tpu.vector_store %arg5[%swap3A], %swap3A_31 {strides = array<i32>} : memref<128xf32, #tpu.memory_space<vmem>>, vector<16xf32>,
    }
    %scan3A_11 = arith.constant 8 : i32
    %mul3A_12 = arith.constant 640 : i32
    %mul3A_13 = arith.muli %arg1, %mul3A_12 : i32
    "tpu.region"() ({
      %run_scoped3A = tpu.sem_alloc : memref<!tpu.dma_semaphore, #tpu.memory_space<semaphore_mem>>
      %dma_start3A = arith.constant 0 : i32
      %dma_start3A_25 = tpu.memref_slice %arg6[%dma_start3A] : memref<640xf32, #tpu.memory_space<vmem>> -> memref<640xf32, #tpu.memory_space<vmem>>
      %dma_start3A_26 = tpu.memref_slice %arg7[%mul3A_13] : memref<10240xf32, #tpu.memory_space<vmem_shared>> -> memref<640xf32, #tpu.memory_space<vmem_shared>>
      %dma_start3A_27 = tpu.memref_slice %arg7[%mul3A_13] : memref<10240xf32, #tpu.memory_space<vmem_shared>> -> memref<640xf32, #tpu.memory_space<vmem_shared>>
      %dma_start3A_28 = arith.constant 0 : i32
      %dma_start3A_29 = tpu.memref_slice %arg6[%dma_start3A_28] : memref<640xf32, #tpu.memory_space<vmem>> -> memref<640xf32, #tpu.memory_space<vmem>>
      tpu.enqueue_dma source(%dma_start3A_29 : memref<640xf32, #tpu.memory_space<vmem>>) target(%dma_start3A_27 : memref<640xf32, #tpu.memory_space<vmem_shared>>) target_semaphore(%run_scoped3A : memref<!tpu.dma_semaphore, #tpu.memory_space<semaphore_mem>>)
      %dma_wait3A = arith.constant 0 : i32
      %dma_wait3A_30 = tpu.memref_slice %arg6[%dma_wait3A] : memref<640xf32, #tpu.memory_space<vmem>> -> memref<640xf32, #tpu.memory_space<vmem>>
      %dma_wait3A_31 = tpu.memref_slice %arg7[%mul3A_13] : memref<10240xf32, #tpu.memory_space<vmem_shared>> -> memref<640xf32, #tpu.memory_space<vmem_shared>>
      %dma_wait3A_32 = tpu.memref_slice %arg7[%mul3A_13] : memref<10240xf32, #tpu.memory_space<vmem_shared>> -> memref<640xf32, #tpu.memory_space<vmem_shared>>
      %dma_wait3A_33 = arith.constant 0 : i32
      %dma_wait3A_34 = tpu.memref_slice %arg6[%dma_wait3A_33] : memref<640xf32, #tpu.memory_space<vmem>> -> memref<640xf32, #tpu.memory_space<vmem>>
      tpu.wait_dma2 semaphore(%run_scoped3A : memref<!tpu.dma_semaphore, #tpu.memory_space<semaphore_mem>>) src(%dma_wait3A_34 : memref<640xf32, #tpu.memory_space<vmem>>) dst(%dma_wait3A_32 : memref<640xf32, #tpu.memory_space<vmem_shared>>)
      tpu.yield
    }) : () -> ()
    "tpu.region"() ({
      %run_scoped3A = tpu.sem_alloc : memref<!tpu.dma_semaphore, #tpu.memory_space<semaphore_mem>>
      %dma_start3A = arith.constant 0 : i32
      %dma_start3A_25 = arith.constant 0 : i32
      %dma_start3A_26 = tpu.memref_slice %arg2[%add3A, %dma_start3A, %dma_start3A_25] : memref<32x79x128xi32, #tpu.memory_space<hbm>> -> memref<1x79x128xi32, #tpu.memory_space<hbm>>
      %dma_start3A_27 = tpu.memref_squeeze %dma_start3A_26 : memref<1x79x128xi32, #tpu.memory_space<hbm>> -> memref<79x128xi32, #tpu.memory_space<hbm>>
      %dma_start3A_28 = arith.constant 0 : i32
      %dma_start3A_29 = arith.constant 0 : i32
      %dma_start3A_30 = tpu.memref_slice %arg2[%add3A, %dma_start3A_28, %dma_start3A_29] : memref<32x79x128xi32, #tpu.memory_space<hbm>> -> memref<1x79x128xi32, #tpu.memory_space<hbm>>
      %dma_start3A_31 = tpu.memref_squeeze %dma_start3A_30 : memref<1x79x128xi32, #tpu.memory_space<hbm>> -> memref<79x128xi32, #tpu.memory_space<hbm>>
      tpu.enqueue_dma source(%dma_start3A_31 : memref<79x128xi32, #tpu.memory_space<hbm>>) target(%arg4 : memref<79x128xi32, #tpu.memory_space<vmem>>) target_semaphore(%run_scoped3A : memref<!tpu.dma_semaphore, #tpu.memory_space<semaphore_mem>>)
      %dma_wait3A = arith.constant 0 : i32
      %dma_wait3A_32 = arith.constant 0 : i32
      %dma_wait3A_33 = tpu.memref_slice %arg2[%add3A, %dma_wait3A, %dma_wait3A_32] : memref<32x79x128xi32, #tpu.memory_space<hbm>> -> memref<1x79x128xi32, #tpu.memory_space<hbm>>
      %dma_wait3A_34 = tpu.memref_squeeze %dma_wait3A_33 : memref<1x79x128xi32, #tpu.memory_space<hbm>> -> memref<79x128xi32, #tpu.memory_space<hbm>>
      %dma_wait3A_35 = arith.constant 0 : i32
      %dma_wait3A_36 = arith.constant 0 : i32
      %dma_wait3A_37 = tpu.memref_slice %arg2[%add3A, %dma_wait3A_35, %dma_wait3A_36] : memref<32x79x128xi32, #tpu.memory_space<hbm>> -> memref<1x79x128xi32, #tpu.memory_space<hbm>>
      %dma_wait3A_38 = tpu.memref_squeeze %dma_wait3A_37 : memref<1x79x128xi32, #tpu.memory_space<hbm>> -> memref<79x128xi32, #tpu.memory_space<hbm>>
      tpu.wait_dma2 semaphore(%run_scoped3A : memref<!tpu.dma_semaphore, #tpu.memory_space<semaphore_mem>>) src(%dma_wait3A_38 : memref<79x128xi32, #tpu.memory_space<hbm>>) dst(%arg4 : memref<79x128xi32, #tpu.memory_space<vmem>>)
      tpu.yield
    }) : () -> ()
    %barrier3A = arith.constant 0 : index
    tpu.barrier barrier_id(%barrier3A)
    %scan3A_14 = arith.constant 0 : i32
    %scan3A_15 = arith.constant 0 : i32
    %scan3A_16 = arith.constant 79 : i32
    %scan3A_17 = arith.addi %scan3A_15, %scan3A_16 : i32
    %scan3A_18 = arith.constant 1 : i32
    scf.for %scan3A_25 = %scan3A_15 to %scan3A_17 step %scan3A_18  : i32 {
      "tpu.region"() ({
        %run_scoped3A = tpu.sem_alloc : memref<!tpu.dma_semaphore, #tpu.memory_space<semaphore_mem>>
        %dma_start3A = arith.constant 0 : i32
        %dma_start3A_26 = tpu.memref_slice %arg4[%scan3A_25, %dma_start3A] : memref<79x128xi32, #tpu.memory_space<vmem>> -> memref<1x128xi32, #tpu.memory_space<vmem>>
        %dma_start3A_27 = tpu.memref_squeeze %dma_start3A_26 : memref<1x128xi32, #tpu.memory_space<vmem>> -> memref<128xi32, #tpu.memory_space<vmem>>
        %dma_start3A_28 = arith.constant 0 : i32
        %dma_start3A_29 = tpu.memref_slice %arg7[%dma_start3A_28] : memref<10240xf32, #tpu.memory_space<vmem_shared>> -> memref<10240xf32, #tpu.memory_space<vmem_shared>>
        tpu.enqueue_indirect_dma source(%arg5 : memref<128xf32, #tpu.memory_space<vmem>>) target(%dma_start3A_29 : memref<10240xf32, #tpu.memory_space<vmem_shared>>) offsets(%dma_start3A_27 : memref<128xi32, #tpu.memory_space<vmem>>) semaphore(%run_scoped3A : memref<!tpu.dma_semaphore, #tpu.memory_space<semaphore_mem>>) {add = true}
        %dma_wait3A = arith.constant 0 : i32
        %dma_wait3A_30 = tpu.memref_slice %arg4[%scan3A_25, %dma_wait3A] : memref<79x128xi32, #tpu.memory_space<vmem>> -> memref<1x128xi32, #tpu.memory_space<vmem>>
        %dma_wait3A_31 = tpu.memref_squeeze %dma_wait3A_30 : memref<1x128xi32, #tpu.memory_space<vmem>> -> memref<128xi32, #tpu.memory_space<vmem>>
        %dma_wait3A_32 = arith.constant 0 : i32
        %dma_wait3A_33 = tpu.memref_slice %arg7[%dma_wait3A_32] : memref<10240xf32, #tpu.memory_space<vmem_shared>> -> memref<10240xf32, #tpu.memory_space<vmem_shared>>
        tpu.wait_indirect_dma semaphore(%run_scoped3A : memref<!tpu.dma_semaphore, #tpu.memory_space<semaphore_mem>>) src(%arg5 : memref<128xf32, #tpu.memory_space<vmem>>) dst(%dma_wait3A_33 : memref<10240xf32, #tpu.memory_space<vmem_shared>>)
        tpu.yield
      }) : () -> ()
    }
    %scan3A_19 = arith.constant 79 : i32
    %barrier3A_20 = arith.constant 0 : index
    tpu.barrier barrier_id(%barrier3A_20)
    %mul3A_21 = arith.constant 640 : i32
    %mul3A_22 = arith.muli %arg1, %mul3A_21 : i32
    "tpu.region"() ({
      %run_scoped3A = tpu.sem_alloc : memref<!tpu.dma_semaphore, #tpu.memory_space<semaphore_mem>>
      %dma_start3A = arith.constant 0 : i32
      %dma_start3A_25 = tpu.memref_slice %arg6[%dma_start3A] : memref<640xf32, #tpu.memory_space<vmem>> -> memref<640xf32, #tpu.memory_space<vmem>>
      %dma_start3A_26 = tpu.memref_slice %arg7[%mul3A_22] : memref<10240xf32, #tpu.memory_space<vmem_shared>> -> memref<640xf32, #tpu.memory_space<vmem_shared>>
      %dma_start3A_27 = arith.constant 0 : i32
      %dma_start3A_28 = tpu.memref_slice %arg6[%dma_start3A_27] : memref<640xf32, #tpu.memory_space<vmem>> -> memref<640xf32, #tpu.memory_space<vmem>>
      %dma_start3A_29 = tpu.memref_slice %arg7[%mul3A_22] : memref<10240xf32, #tpu.memory_space<vmem_shared>> -> memref<640xf32, #tpu.memory_space<vmem_shared>>
      tpu.enqueue_dma source(%dma_start3A_29 : memref<640xf32, #tpu.memory_space<vmem_shared>>) target(%dma_start3A_28 : memref<640xf32, #tpu.memory_space<vmem>>) target_semaphore(%run_scoped3A : memref<!tpu.dma_semaphore, #tpu.memory_space<semaphore_mem>>)
      %dma_wait3A = arith.constant 0 : i32
      %dma_wait3A_30 = tpu.memref_slice %arg6[%dma_wait3A] : memref<640xf32, #tpu.memory_space<vmem>> -> memref<640xf32, #tpu.memory_space<vmem>>
      %dma_wait3A_31 = tpu.memref_slice %arg7[%mul3A_22] : memref<10240xf32, #tpu.memory_space<vmem_shared>> -> memref<640xf32, #tpu.memory_space<vmem_shared>>
      %dma_wait3A_32 = arith.constant 0 : i32
      %dma_wait3A_33 = tpu.memref_slice %arg6[%dma_wait3A_32] : memref<640xf32, #tpu.memory_space<vmem>> -> memref<640xf32, #tpu.memory_space<vmem>>
      %dma_wait3A_34 = tpu.memref_slice %arg7[%mul3A_22] : memref<10240xf32, #tpu.memory_space<vmem_shared>> -> memref<640xf32, #tpu.memory_space<vmem_shared>>
      tpu.wait_dma2 semaphore(%run_scoped3A : memref<!tpu.dma_semaphore, #tpu.memory_space<semaphore_mem>>) src(%dma_wait3A_34 : memref<640xf32, #tpu.memory_space<vmem_shared>>) dst(%dma_wait3A_33 : memref<640xf32, #tpu.memory_space<vmem>>)
      tpu.yield
    }) : () -> ()
    %mul3A_23 = arith.constant 640 : i32
    %mul3A_24 = arith.muli %arg1, %mul3A_23 : i32
    "tpu.region"() ({
      %run_scoped3A = tpu.sem_alloc : memref<!tpu.dma_semaphore, #tpu.memory_space<semaphore_mem>>
      %dma_start3A = arith.constant 0 : i32
      %dma_start3A_25 = tpu.memref_slice %arg6[%dma_start3A] : memref<640xf32, #tpu.memory_space<vmem>> -> memref<640xf32, #tpu.memory_space<vmem>>
      %dma_start3A_26 = tpu.memref_slice %arg3[%arg0, %mul3A_24] : memref<2x10240xf32, #tpu.memory_space<hbm>> -> memref<1x640xf32, #tpu.memory_space<hbm>>
      %dma_start3A_27 = tpu.memref_squeeze %dma_start3A_26 : memref<1x640xf32, #tpu.memory_space<hbm>> -> memref<640xf32, #tpu.memory_space<hbm>>
      %dma_start3A_28 = tpu.memref_slice %arg3[%arg0, %mul3A_24] : memref<2x10240xf32, #tpu.memory_space<hbm>> -> memref<1x640xf32, #tpu.memory_space<hbm>>
      %dma_start3A_29 = tpu.memref_squeeze %dma_start3A_28 : memref<1x640xf32, #tpu.memory_space<hbm>> -> memref<640xf32, #tpu.memory_space<hbm>>
      %dma_start3A_30 = arith.constant 0 : i32
      %dma_start3A_31 = tpu.memref_slice %arg6[%dma_start3A_30] : memref<640xf32, #tpu.memory_space<vmem>> -> memref<640xf32, #tpu.memory_space<vmem>>
      tpu.enqueue_dma source(%dma_start3A_31 : memref<640xf32, #tpu.memory_space<vmem>>) target(%dma_start3A_29 : memref<640xf32, #tpu.memory_space<hbm>>) target_semaphore(%run_scoped3A : memref<!tpu.dma_semaphore, #tpu.memory_space<semaphore_mem>>)
      %dma_wait3A = arith.constant 0 : i32
      %dma_wait3A_32 = tpu.memref_slice %arg6[%dma_wait3A] : memref<640xf32, #tpu.memory_space<vmem>> -> memref<640xf32, #tpu.memory_space<vmem>>
      %dma_wait3A_33 = tpu.memref_slice %arg3[%arg0, %mul3A_24] : memref<2x10240xf32, #tpu.memory_space<hbm>> -> memref<1x640xf32, #tpu.memory_space<hbm>>
      %dma_wait3A_34 = tpu.memref_squeeze %dma_wait3A_33 : memref<1x640xf32, #tpu.memory_space<hbm>> -> memref<640xf32, #tpu.memory_space<hbm>>
      %dma_wait3A_35 = tpu.memref_slice %arg3[%arg0, %mul3A_24] : memref<2x10240xf32, #tpu.memory_space<hbm>> -> memref<1x640xf32, #tpu.memory_space<hbm>>
      %dma_wait3A_36 = tpu.memref_squeeze %dma_wait3A_35 : memref<1x640xf32, #tpu.memory_space<hbm>> -> memref<640xf32, #tpu.memory_space<hbm>>
      %dma_wait3A_37 = arith.constant 0 : i32
      %dma_wait3A_38 = tpu.memref_slice %arg6[%dma_wait3A_37] : memref<640xf32, #tpu.memory_space<vmem>> -> memref<640xf32, #tpu.memory_space<vmem>>
      tpu.wait_dma2 semaphore(%run_scoped3A : memref<!tpu.dma_semaphore, #tpu.memory_space<semaphore_mem>>) src(%dma_wait3A_38 : memref<640xf32, #tpu.memory_space<vmem>>) dst(%dma_wait3A_36 : memref<640xf32, #tpu.memory_space<hbm>>)
      tpu.yield
    }) : () -> ()
    return
  }
}

#map = affine_map<(d0, d1) -> (0, 0, 0)>
#map1 = affine_map<(d0, d1) -> (0, 0)>
module attributes {stable_mosaic.version = 14 : i64} {
  func.func @_sc_agg_body(%arg0: i32, %arg1: i32, %arg2: memref<32x79x128xi32, #tpu.memory_space<hbm>>, %arg3: memref<32x79x128xi32, #tpu.memory_space<hbm>>, %arg4: memref<10240x128xf32, #tpu.memory_space<hbm>>, %arg5: memref<640x128xf32, #tpu.memory_space<hbm>>, %arg6: memref<2x10240x128xf32, #tpu.memory_space<hbm>>, %arg7: memref<79x128xi32, #tpu.memory_space<vmem>>, %arg8: memref<79x128xi32, #tpu.memory_space<vmem>>, %arg9: memref<128x128xf32, #tpu.memory_space<vmem>>, %arg10: memref<80x128xf32, #tpu.memory_space<vmem>>, %arg11: memref<10240x128xf32, #tpu.memory_space<vmem_shared>>, %arg12: memref<!tpu.dma_semaphore, #tpu.memory_space<semaphore_mem>>) attributes {dimension_semantics = [#tpu.dimension_semantics<core_parallel>, #tpu.dimension_semantics<subcore_parallel>], iteration_bounds = array<i64: 2, 16>, scalar_prefetch = 0 : i64, scratch_operands = 6 : i64, tpu.core_type = #tpu.core_type<sc_vector_subcore>, window_params = [{transform_indices = #map}, {transform_indices = #map}, {transform_indices = #map1}, {transform_indices = #map1}, {transform_indices = #map}]} {
    %mul3A = arith.constant 2 : i32
    %mul3A_0 = arith.muli %arg1, %mul3A : i32
    %add3A = arith.addi %mul3A_0, %arg0 : i32
    %mul3A_1 = arith.constant 640 : i32
    %mul3A_2 = arith.muli %arg1, %mul3A_1 : i32
    "tpu.region"() ({
      %run_scoped3A = tpu.sem_alloc : memref<!tpu.dma_semaphore, #tpu.memory_space<semaphore_mem>>
      %dma_start3A = arith.constant 0 : i32
      %dma_start3A_15 = tpu.memref_slice %arg11[%mul3A_2, %dma_start3A] : memref<10240x128xf32, #tpu.memory_space<vmem_shared>> -> memref<640x128xf32, #tpu.memory_space<vmem_shared>>
      tpu.enqueue_dma source(%arg5 : memref<640x128xf32, #tpu.memory_space<hbm>>) target(%dma_start3A_15 : memref<640x128xf32, #tpu.memory_space<vmem_shared>>) target_semaphore(%run_scoped3A : memref<!tpu.dma_semaphore, #tpu.memory_space<semaphore_mem>>)
      %dma_wait3A = arith.constant 0 : i32
      %dma_wait3A_16 = tpu.memref_slice %arg11[%mul3A_2, %dma_wait3A] : memref<10240x128xf32, #tpu.memory_space<vmem_shared>> -> memref<640x128xf32, #tpu.memory_space<vmem_shared>>
      tpu.wait_dma2 semaphore(%run_scoped3A : memref<!tpu.dma_semaphore, #tpu.memory_space<semaphore_mem>>) src(%arg5 : memref<640x128xf32, #tpu.memory_space<hbm>>) dst(%dma_wait3A_16 : memref<640x128xf32, #tpu.memory_space<vmem_shared>>)
      tpu.yield
    }) : () -> ()
    "tpu.region"() ({
      %run_scoped3A = tpu.sem_alloc : memref<!tpu.dma_semaphore, #tpu.memory_space<semaphore_mem>>
      %dma_start3A = arith.constant 0 : i32
      %dma_start3A_15 = arith.constant 0 : i32
      %dma_start3A_16 = tpu.memref_slice %arg2[%add3A, %dma_start3A, %dma_start3A_15] : memref<32x79x128xi32, #tpu.memory_space<hbm>> -> memref<1x79x128xi32, #tpu.memory_space<hbm>>
      %dma_start3A_17 = tpu.memref_squeeze %dma_start3A_16 : memref<1x79x128xi32, #tpu.memory_space<hbm>> -> memref<79x128xi32, #tpu.memory_space<hbm>>
      %dma_start3A_18 = arith.constant 0 : i32
      %dma_start3A_19 = arith.constant 0 : i32
      %dma_start3A_20 = tpu.memref_slice %arg2[%add3A, %dma_start3A_18, %dma_start3A_19] : memref<32x79x128xi32, #tpu.memory_space<hbm>> -> memref<1x79x128xi32, #tpu.memory_space<hbm>>
      %dma_start3A_21 = tpu.memref_squeeze %dma_start3A_20 : memref<1x79x128xi32, #tpu.memory_space<hbm>> -> memref<79x128xi32, #tpu.memory_space<hbm>>
      tpu.enqueue_dma source(%dma_start3A_21 : memref<79x128xi32, #tpu.memory_space<hbm>>) target(%arg7 : memref<79x128xi32, #tpu.memory_space<vmem>>) target_semaphore(%run_scoped3A : memref<!tpu.dma_semaphore, #tpu.memory_space<semaphore_mem>>)
      %dma_wait3A = arith.constant 0 : i32
      %dma_wait3A_22 = arith.constant 0 : i32
      %dma_wait3A_23 = tpu.memref_slice %arg2[%add3A, %dma_wait3A, %dma_wait3A_22] : memref<32x79x128xi32, #tpu.memory_space<hbm>> -> memref<1x79x128xi32, #tpu.memory_space<hbm>>
      %dma_wait3A_24 = tpu.memref_squeeze %dma_wait3A_23 : memref<1x79x128xi32, #tpu.memory_space<hbm>> -> memref<79x128xi32, #tpu.memory_space<hbm>>
      %dma_wait3A_25 = arith.constant 0 : i32
      %dma_wait3A_26 = arith.constant 0 : i32
      %dma_wait3A_27 = tpu.memref_slice %arg2[%add3A, %dma_wait3A_25, %dma_wait3A_26] : memref<32x79x128xi32, #tpu.memory_space<hbm>> -> memref<1x79x128xi32, #tpu.memory_space<hbm>>
      %dma_wait3A_28 = tpu.memref_squeeze %dma_wait3A_27 : memref<1x79x128xi32, #tpu.memory_space<hbm>> -> memref<79x128xi32, #tpu.memory_space<hbm>>
      tpu.wait_dma2 semaphore(%run_scoped3A : memref<!tpu.dma_semaphore, #tpu.memory_space<semaphore_mem>>) src(%dma_wait3A_28 : memref<79x128xi32, #tpu.memory_space<hbm>>) dst(%arg7 : memref<79x128xi32, #tpu.memory_space<vmem>>)
      tpu.yield
    }) : () -> ()
    "tpu.region"() ({
      %run_scoped3A = tpu.sem_alloc : memref<!tpu.dma_semaphore, #tpu.memory_space<semaphore_mem>>
      %dma_start3A = arith.constant 0 : i32
      %dma_start3A_15 = arith.constant 0 : i32
      %dma_start3A_16 = tpu.memref_slice %arg3[%add3A, %dma_start3A, %dma_start3A_15] : memref<32x79x128xi32, #tpu.memory_space<hbm>> -> memref<1x79x128xi32, #tpu.memory_space<hbm>>
      %dma_start3A_17 = tpu.memref_squeeze %dma_start3A_16 : memref<1x79x128xi32, #tpu.memory_space<hbm>> -> memref<79x128xi32, #tpu.memory_space<hbm>>
      %dma_start3A_18 = arith.constant 0 : i32
      %dma_start3A_19 = arith.constant 0 : i32
      %dma_start3A_20 = tpu.memref_slice %arg3[%add3A, %dma_start3A_18, %dma_start3A_19] : memref<32x79x128xi32, #tpu.memory_space<hbm>> -> memref<1x79x128xi32, #tpu.memory_space<hbm>>
      %dma_start3A_21 = tpu.memref_squeeze %dma_start3A_20 : memref<1x79x128xi32, #tpu.memory_space<hbm>> -> memref<79x128xi32, #tpu.memory_space<hbm>>
      tpu.enqueue_dma source(%dma_start3A_21 : memref<79x128xi32, #tpu.memory_space<hbm>>) target(%arg8 : memref<79x128xi32, #tpu.memory_space<vmem>>) target_semaphore(%run_scoped3A : memref<!tpu.dma_semaphore, #tpu.memory_space<semaphore_mem>>)
      %dma_wait3A = arith.constant 0 : i32
      %dma_wait3A_22 = arith.constant 0 : i32
      %dma_wait3A_23 = tpu.memref_slice %arg3[%add3A, %dma_wait3A, %dma_wait3A_22] : memref<32x79x128xi32, #tpu.memory_space<hbm>> -> memref<1x79x128xi32, #tpu.memory_space<hbm>>
      %dma_wait3A_24 = tpu.memref_squeeze %dma_wait3A_23 : memref<1x79x128xi32, #tpu.memory_space<hbm>> -> memref<79x128xi32, #tpu.memory_space<hbm>>
      %dma_wait3A_25 = arith.constant 0 : i32
      %dma_wait3A_26 = arith.constant 0 : i32
      %dma_wait3A_27 = tpu.memref_slice %arg3[%add3A, %dma_wait3A_25, %dma_wait3A_26] : memref<32x79x128xi32, #tpu.memory_space<hbm>> -> memref<1x79x128xi32, #tpu.memory_space<hbm>>
      %dma_wait3A_28 = tpu.memref_squeeze %dma_wait3A_27 : memref<1x79x128xi32, #tpu.memory_space<hbm>> -> memref<79x128xi32, #tpu.memory_space<hbm>>
      tpu.wait_dma2 semaphore(%run_scoped3A : memref<!tpu.dma_semaphore, #tpu.memory_space<semaphore_mem>>) src(%dma_wait3A_28 : memref<79x128xi32, #tpu.memory_space<hbm>>) dst(%arg8 : memref<79x128xi32, #tpu.memory_space<vmem>>)
      tpu.yield
    }) : () -> ()
    %barrier3A = arith.constant 0 : index
    tpu.barrier barrier_id(%barrier3A)
    %scan3A = arith.constant 0 : i32
    %scan3A_3 = arith.constant 0 : i32
    %scan3A_4 = arith.constant 79 : i32
    %scan3A_5 = arith.addi %scan3A_3, %scan3A_4 : i32
    %scan3A_6 = arith.constant 1 : i32
    scf.for %scan3A_15 = %scan3A_3 to %scan3A_5 step %scan3A_6  : i32 {
      %dma_start3A = arith.constant 0 : i32
      %dma_start3A_16 = tpu.memref_slice %arg7[%scan3A_15, %dma_start3A] : memref<79x128xi32, #tpu.memory_space<vmem>> -> memref<1x128xi32, #tpu.memory_space<vmem>>
      %dma_start3A_17 = tpu.memref_squeeze %dma_start3A_16 : memref<1x128xi32, #tpu.memory_space<vmem>> -> memref<128xi32, #tpu.memory_space<vmem>>
      %dma_start3A_18 = arith.constant 0 : i32
      %dma_start3A_19 = arith.constant 0 : i32
      %dma_start3A_20 = tpu.memref_slice %arg4[%dma_start3A_18, %dma_start3A_19] : memref<10240x128xf32, #tpu.memory_space<hbm>> -> memref<10240x128xf32, #tpu.memory_space<hbm>>
      tpu.enqueue_indirect_dma source(%dma_start3A_20 : memref<10240x128xf32, #tpu.memory_space<hbm>>) target(%arg9 : memref<128x128xf32, #tpu.memory_space<vmem>>) offsets(%dma_start3A_17 : memref<128xi32, #tpu.memory_space<vmem>>) semaphore(%arg12 : memref<!tpu.dma_semaphore, #tpu.memory_space<semaphore_mem>>)
      %dma_wait3A = arith.constant 0 : i32
      %dma_wait3A_21 = tpu.memref_slice %arg7[%scan3A_15, %dma_wait3A] : memref<79x128xi32, #tpu.memory_space<vmem>> -> memref<1x128xi32, #tpu.memory_space<vmem>>
      %dma_wait3A_22 = tpu.memref_squeeze %dma_wait3A_21 : memref<1x128xi32, #tpu.memory_space<vmem>> -> memref<128xi32, #tpu.memory_space<vmem>>
      %dma_wait3A_23 = arith.constant 0 : i32
      %dma_wait3A_24 = arith.constant 0 : i32
      %dma_wait3A_25 = tpu.memref_slice %arg4[%dma_wait3A_23, %dma_wait3A_24] : memref<10240x128xf32, #tpu.memory_space<hbm>> -> memref<10240x128xf32, #tpu.memory_space<hbm>>
      tpu.wait_indirect_dma semaphore(%arg12 : memref<!tpu.dma_semaphore, #tpu.memory_space<semaphore_mem>>) src(%dma_wait3A_25 : memref<10240x128xf32, #tpu.memory_space<hbm>>) dst(%arg9 : memref<128x128xf32, #tpu.memory_space<vmem>>)
      "tpu.region"() ({
        %run_scoped3A = tpu.sem_alloc : memref<!tpu.dma_semaphore, #tpu.memory_space<semaphore_mem>>
        %dma_start3A_26 = arith.constant 0 : i32
        %dma_start3A_27 = tpu.memref_slice %arg8[%scan3A_15, %dma_start3A_26] : memref<79x128xi32, #tpu.memory_space<vmem>> -> memref<1x128xi32, #tpu.memory_space<vmem>>
        %dma_start3A_28 = tpu.memref_squeeze %dma_start3A_27 : memref<1x128xi32, #tpu.memory_space<vmem>> -> memref<128xi32, #tpu.memory_space<vmem>>
        %dma_start3A_29 = arith.constant 0 : i32
        %dma_start3A_30 = arith.constant 0 : i32
        %dma_start3A_31 = tpu.memref_slice %arg11[%dma_start3A_29, %dma_start3A_30] : memref<10240x128xf32, #tpu.memory_space<vmem_shared>> -> memref<10240x128xf32, #tpu.memory_space<vmem_shared>>
        tpu.enqueue_indirect_dma source(%arg9 : memref<128x128xf32, #tpu.memory_space<vmem>>) target(%dma_start3A_31 : memref<10240x128xf32, #tpu.memory_space<vmem_shared>>) offsets(%dma_start3A_28 : memref<128xi32, #tpu.memory_space<vmem>>) semaphore(%run_scoped3A : memref<!tpu.dma_semaphore, #tpu.memory_space<semaphore_mem>>) {add = true}
        %dma_wait3A_32 = arith.constant 0 : i32
        %dma_wait3A_33 = tpu.memref_slice %arg8[%scan3A_15, %dma_wait3A_32] : memref<79x128xi32, #tpu.memory_space<vmem>> -> memref<1x128xi32, #tpu.memory_space<vmem>>
        %dma_wait3A_34 = tpu.memref_squeeze %dma_wait3A_33 : memref<1x128xi32, #tpu.memory_space<vmem>> -> memref<128xi32, #tpu.memory_space<vmem>>
        %dma_wait3A_35 = arith.constant 0 : i32
        %dma_wait3A_36 = arith.constant 0 : i32
        %dma_wait3A_37 = tpu.memref_slice %arg11[%dma_wait3A_35, %dma_wait3A_36] : memref<10240x128xf32, #tpu.memory_space<vmem_shared>> -> memref<10240x128xf32, #tpu.memory_space<vmem_shared>>
        tpu.wait_indirect_dma semaphore(%run_scoped3A : memref<!tpu.dma_semaphore, #tpu.memory_space<semaphore_mem>>) src(%arg9 : memref<128x128xf32, #tpu.memory_space<vmem>>) dst(%dma_wait3A_37 : memref<10240x128xf32, #tpu.memory_space<vmem_shared>>)
        tpu.yield
      }) : () -> ()
    }
    %scan3A_7 = arith.constant 79 : i32
    %barrier3A_8 = arith.constant 0 : index
    tpu.barrier barrier_id(%barrier3A_8)
    %scan3A_9 = arith.constant 0 : i32
    %scan3A_10 = arith.constant 0 : i32
    %scan3A_11 = arith.constant 8 : i32
    %scan3A_12 = arith.addi %scan3A_10, %scan3A_11 : i32
    %scan3A_13 = arith.constant 1 : i32
    scf.for %scan3A_15 = %scan3A_10 to %scan3A_12 step %scan3A_13  : i32 {
      %mul3A_16 = arith.constant 640 : i32
      %mul3A_17 = arith.muli %arg1, %mul3A_16 : i32
      %mul3A_18 = arith.constant 80 : i32
      %mul3A_19 = arith.muli %scan3A_15, %mul3A_18 : i32
      %add3A_20 = arith.addi %mul3A_17, %mul3A_19 : i32
      "tpu.region"() ({
        %run_scoped3A = tpu.sem_alloc : memref<!tpu.dma_semaphore, #tpu.memory_space<semaphore_mem>>
        %dma_start3A = arith.constant 0 : i32
        %dma_start3A_21 = tpu.memref_slice %arg11[%add3A_20, %dma_start3A] : memref<10240x128xf32, #tpu.memory_space<vmem_shared>> -> memref<80x128xf32, #tpu.memory_space<vmem_shared>>
        %dma_start3A_22 = arith.constant 0 : i32
        %dma_start3A_23 = tpu.memref_slice %arg11[%add3A_20, %dma_start3A_22] : memref<10240x128xf32, #tpu.memory_space<vmem_shared>> -> memref<80x128xf32, #tpu.memory_space<vmem_shared>>
        tpu.enqueue_dma source(%dma_start3A_23 : memref<80x128xf32, #tpu.memory_space<vmem_shared>>) target(%arg10 : memref<80x128xf32, #tpu.memory_space<vmem>>) target_semaphore(%run_scoped3A : memref<!tpu.dma_semaphore, #tpu.memory_space<semaphore_mem>>)
        %dma_wait3A = arith.constant 0 : i32
        %dma_wait3A_24 = tpu.memref_slice %arg11[%add3A_20, %dma_wait3A] : memref<10240x128xf32, #tpu.memory_space<vmem_shared>> -> memref<80x128xf32, #tpu.memory_space<vmem_shared>>
        %dma_wait3A_25 = arith.constant 0 : i32
        %dma_wait3A_26 = tpu.memref_slice %arg11[%add3A_20, %dma_wait3A_25] : memref<10240x128xf32, #tpu.memory_space<vmem_shared>> -> memref<80x128xf32, #tpu.memory_space<vmem_shared>>
        tpu.wait_dma2 semaphore(%run_scoped3A : memref<!tpu.dma_semaphore, #tpu.memory_space<semaphore_mem>>) src(%dma_wait3A_26 : memref<80x128xf32, #tpu.memory_space<vmem_shared>>) dst(%arg10 : memref<80x128xf32, #tpu.memory_space<vmem>>)
        tpu.yield
      }) : () -> ()
      "tpu.region"() ({
        %run_scoped3A = tpu.sem_alloc : memref<!tpu.dma_semaphore, #tpu.memory_space<semaphore_mem>>
        %dma_start3A = arith.constant 0 : i32
        %dma_start3A_21 = tpu.memref_slice %arg6[%arg0, %add3A_20, %dma_start3A] : memref<2x10240x128xf32, #tpu.memory_space<hbm>> -> memref<1x80x128xf32, #tpu.memory_space<hbm>>
        %dma_start3A_22 = tpu.memref_squeeze %dma_start3A_21 : memref<1x80x128xf32, #tpu.memory_space<hbm>> -> memref<80x128xf32, #tpu.memory_space<hbm>>
        %dma_start3A_23 = arith.constant 0 : i32
        %dma_start3A_24 = tpu.memref_slice %arg6[%arg0, %add3A_20, %dma_start3A_23] : memref<2x10240x128xf32, #tpu.memory_space<hbm>> -> memref<1x80x128xf32, #tpu.memory_space<hbm>>
        %dma_start3A_25 = tpu.memref_squeeze %dma_start3A_24 : memref<1x80x128xf32, #tpu.memory_space<hbm>> -> memref<80x128xf32, #tpu.memory_space<hbm>>
        tpu.enqueue_dma source(%arg10 : memref<80x128xf32, #tpu.memory_space<vmem>>) target(%dma_start3A_25 : memref<80x128xf32, #tpu.memory_space<hbm>>) target_semaphore(%run_scoped3A : memref<!tpu.dma_semaphore, #tpu.memory_space<semaphore_mem>>)
        %dma_wait3A = arith.constant 0 : i32
        %dma_wait3A_26 = tpu.memref_slice %arg6[%arg0, %add3A_20, %dma_wait3A] : memref<2x10240x128xf32, #tpu.memory_space<hbm>> -> memref<1x80x128xf32, #tpu.memory_space<hbm>>
        %dma_wait3A_27 = tpu.memref_squeeze %dma_wait3A_26 : memref<1x80x128xf32, #tpu.memory_space<hbm>> -> memref<80x128xf32, #tpu.memory_space<hbm>>
        %dma_wait3A_28 = arith.constant 0 : i32
        %dma_wait3A_29 = tpu.memref_slice %arg6[%arg0, %add3A_20, %dma_wait3A_28] : memref<2x10240x128xf32, #tpu.memory_space<hbm>> -> memref<1x80x128xf32, #tpu.memory_space<hbm>>
        %dma_wait3A_30 = tpu.memref_squeeze %dma_wait3A_29 : memref<1x80x128xf32, #tpu.memory_space<hbm>> -> memref<80x128xf32, #tpu.memory_space<hbm>>
        tpu.wait_dma2 semaphore(%run_scoped3A : memref<!tpu.dma_semaphore, #tpu.memory_space<semaphore_mem>>) src(%arg10 : memref<80x128xf32, #tpu.memory_space<vmem>>) dst(%dma_wait3A_30 : memref<80x128xf32, #tpu.memory_space<hbm>>)
        tpu.yield
      }) : () -> ()
    }
    %scan3A_14 = arith.constant 8 : i32
    return
  }
}

module attributes {stable_mosaic.version = 14 : i64} {
  func.func @_tc_g_body(%arg0: i32, %arg1: memref<1280x128xf32, #tpu.memory_space<vmem>>, %arg2: memref<128x128xf32, #tpu.memory_space<vmem>>, %arg3: memref<2x1280xf32, #tpu.memory_space<vmem>>, %arg4: memref<1280x128xf32, #tpu.memory_space<vmem>>) attributes {dimension_semantics = [#tpu.dimension_semantics<arbitrary>], iteration_bounds = array<i64: 8>, scalar_prefetch = 0 : i64, scratch_operands = 0 : i64, tpu.core_type = #tpu.core_type<tc>, window_params = [{transform_indices = @transform_0, window_bounds = array<i64: 1280, 128>}, {pipeline_mode = #tpu.pipeline_mode<synchronous>, transform_indices = @transform_1, window_bounds = array<i64: 128, 128>}, {transform_indices = @transform_2, window_bounds = array<i64: 2, 1280>}, {transform_indices = @transform_3, window_bounds = array<i64: 1280, 128>}]} {
    %get3A = arith.constant 0 : index
    %get3A_0 = arith.constant 0 : index
    %get3A_1 = vector.load %arg1[%get3A, %get3A_0] : memref<1280x128xf32, #tpu.memory_space<vmem>>, vector<1280x128xf32>
    %get3A_2 = arith.constant 0 : index
    %get3A_3 = arith.constant 0 : index
    %get3A_4 = vector.load %arg2[%get3A_2, %get3A_3] : memref<128x128xf32, #tpu.memory_space<vmem>>, vector<128x128xf32>
    %dot_general3A = arith.constant dense<0.000000e+00> : vector<1280x128xf32>
    %dot_general3A_5 = tpu.matmul %get3A_1, %get3A_4, %dot_general3A {dimension_numbers = #tpu.dot_dimension_numbers<[1], [1], [0], [0], [0, 0, 1, 0], [], []>, transpose_lhs_hint = false} : vector<1280x128xf32>, vector<128x128xf32>, vector<1280x128xf32> -> vector<1280x128xf32>
    %get3A_6 = arith.constant 0 : index
    %get3A_7 = arith.constant 0 : index
    %get3A_8 = vector.load %arg3[%get3A_6, %get3A_7] : memref<2x1280xf32, #tpu.memory_space<vmem>>, vector<1x1280xf32>
    %get3A_9 = vector.shape_cast %get3A_8 : vector<1x1280xf32> to vector<1280xf32>
    %add3A = arith.constant 1.000000e+00 : f32
    %add3A_10 = vector.broadcast %add3A : f32 to vector<1280xf32>
    %add3A_11 = arith.addf %add3A_10, %get3A_9 : vector<1280xf32>
    %get3A_12 = arith.constant 1 : index
    %get3A_13 = arith.constant 0 : index
    %get3A_14 = vector.load %arg3[%get3A_12, %get3A_13] : memref<2x1280xf32, #tpu.memory_space<vmem>>, vector<1x1280xf32>
    %get3A_15 = vector.shape_cast %get3A_14 : vector<1x1280xf32> to vector<1280xf32>
    %add3A_16 = arith.addf %add3A_11, %get3A_15 : vector<1280xf32>
    %rsqrt3A = math.rsqrt %add3A_16 : vector<1280xf32>
    %broadcast_in_dim3A = vector.shape_cast %rsqrt3A : vector<1280xf32> to vector<1280x1xf32>
    %mul3A = vector.broadcast %broadcast_in_dim3A : vector<1280x1xf32> to vector<1280x128xf32>
    %mul3A_17 = arith.mulf %dot_general3A_5, %mul3A : vector<1280x128xf32>
    %swap3A = arith.constant 0 : index
    %swap3A_18 = arith.constant 0 : index
    %swap3A_19 = vector.load %arg4[%swap3A, %swap3A_18] : memref<1280x128xf32, #tpu.memory_space<vmem>>, vector<1280x128xf32>
    tpu.vector_store %arg4[%swap3A, %swap3A_18], %mul3A_17 {strides = array<i32>} : memref<1280x128xf32, #tpu.memory_space<vmem>>, vector<1280x128xf32>,
    return
  }
  func.func @transform_0(%arg0: i32) -> (i32, i32) {
    %c0_i32 = arith.constant 0 : i32
    %c0_i32_0 = arith.constant 0 : i32
    return %arg0, %c0_i32 : i32, i32
  }
  func.func @transform_1(%arg0: i32) -> (i32, i32) {
    %c0_i32 = arith.constant 0 : i32
    %c0_i32_0 = arith.constant 0 : i32
    %c0_i32_1 = arith.constant 0 : i32
    return %c0_i32, %c0_i32_0 : i32, i32
  }
  func.func @transform_2(%arg0: i32) -> (i32, i32) {
    %c0_i32 = arith.constant 0 : i32
    %c0_i32_0 = arith.constant 0 : i32
    return %c0_i32, %arg0 : i32, i32
  }
  func.func @transform_3(%arg0: i32) -> (i32, i32) {
    %c0_i32 = arith.constant 0 : i32
    %c0_i32_0 = arith.constant 0 : i32
    return %arg0, %c0_i32 : i32, i32
  }
}

module attributes {stable_mosaic.version = 14 : i64} {
  func.func @_tc_out_body(%arg0: i32, %arg1: memref<2x1280x128xf32, #tpu.memory_space<vmem>>, %arg2: memref<1280x128xf32, #tpu.memory_space<vmem>>, %arg3: memref<2x1280xf32, #tpu.memory_space<vmem>>, %arg4: memref<1x128xf32, #tpu.memory_space<vmem>>, %arg5: memref<1280x128xf32, #tpu.memory_space<vmem>>) attributes {dimension_semantics = [#tpu.dimension_semantics<arbitrary>], iteration_bounds = array<i64: 8>, scalar_prefetch = 0 : i64, scratch_operands = 0 : i64, tpu.core_type = #tpu.core_type<tc>, window_params = [{transform_indices = @transform_0, window_bounds = array<i64: 2, 1280, 128>}, {transform_indices = @transform_1, window_bounds = array<i64: 1280, 128>}, {transform_indices = @transform_2, window_bounds = array<i64: 2, 1280>}, {pipeline_mode = #tpu.pipeline_mode<synchronous>, transform_indices = @transform_3, window_bounds = array<i64: 1, 128>}, {transform_indices = @transform_4, window_bounds = array<i64: 1280, 128>}]} {
    %get3A = arith.constant 0 : index
    %get3A_0 = arith.constant 0 : index
    %get3A_1 = arith.constant 0 : index
    %get3A_2 = vector.load %arg1[%get3A, %get3A_0, %get3A_1] : memref<2x1280x128xf32, #tpu.memory_space<vmem>>, vector<1x1280x128xf32>
    %get3A_3 = vector.shape_cast %get3A_2 : vector<1x1280x128xf32> to vector<1280x128xf32>
    %get3A_4 = arith.constant 1 : index
    %get3A_5 = arith.constant 0 : index
    %get3A_6 = arith.constant 0 : index
    %get3A_7 = vector.load %arg1[%get3A_4, %get3A_5, %get3A_6] : memref<2x1280x128xf32, #tpu.memory_space<vmem>>, vector<1x1280x128xf32>
    %get3A_8 = vector.shape_cast %get3A_7 : vector<1x1280x128xf32> to vector<1280x128xf32>
    %add3A = arith.addf %get3A_3, %get3A_8 : vector<1280x128xf32>
    %get3A_9 = arith.constant 0 : index
    %get3A_10 = arith.constant 0 : index
    %get3A_11 = vector.load %arg2[%get3A_9, %get3A_10] : memref<1280x128xf32, #tpu.memory_space<vmem>>, vector<1280x128xf32>
    %add3A_12 = arith.addf %add3A, %get3A_11 : vector<1280x128xf32>
    %get3A_13 = arith.constant 0 : index
    %get3A_14 = arith.constant 0 : index
    %get3A_15 = vector.load %arg3[%get3A_13, %get3A_14] : memref<2x1280xf32, #tpu.memory_space<vmem>>, vector<1x1280xf32>
    %get3A_16 = vector.shape_cast %get3A_15 : vector<1x1280xf32> to vector<1280xf32>
    %add3A_17 = arith.constant 1.000000e+00 : f32
    %add3A_18 = vector.broadcast %add3A_17 : f32 to vector<1280xf32>
    %add3A_19 = arith.addf %add3A_18, %get3A_16 : vector<1280xf32>
    %get3A_20 = arith.constant 1 : index
    %get3A_21 = arith.constant 0 : index
    %get3A_22 = vector.load %arg3[%get3A_20, %get3A_21] : memref<2x1280xf32, #tpu.memory_space<vmem>>, vector<1x1280xf32>
    %get3A_23 = vector.shape_cast %get3A_22 : vector<1x1280xf32> to vector<1280xf32>
    %add3A_24 = arith.addf %add3A_19, %get3A_23 : vector<1280xf32>
    %rsqrt3A = math.rsqrt %add3A_24 : vector<1280xf32>
    %broadcast_in_dim3A = vector.shape_cast %rsqrt3A : vector<1280xf32> to vector<1280x1xf32>
    %mul3A = vector.broadcast %broadcast_in_dim3A : vector<1280x1xf32> to vector<1280x128xf32>
    %mul3A_25 = arith.mulf %mul3A, %add3A_12 : vector<1280x128xf32>
    %get3A_26 = arith.constant 0 : index
    %get3A_27 = arith.constant 0 : index
    %get3A_28 = vector.load %arg4[%get3A_26, %get3A_27] : memref<1x128xf32, #tpu.memory_space<vmem>>, vector<1x128xf32>
    %add3A_29 = vector.broadcast %get3A_28 : vector<1x128xf32> to vector<1280x128xf32>
    %add3A_30 = arith.addf %mul3A_25, %add3A_29 : vector<1280x128xf32>
    %swap3A = arith.constant 0 : index
    %swap3A_31 = arith.constant 0 : index
    %swap3A_32 = vector.load %arg5[%swap3A, %swap3A_31] : memref<1280x128xf32, #tpu.memory_space<vmem>>, vector<1280x128xf32>
    tpu.vector_store %arg5[%swap3A, %swap3A_31], %add3A_30 {strides = array<i32>} : memref<1280x128xf32, #tpu.memory_space<vmem>>, vector<1280x128xf32>,
    return
  }
  func.func @transform_0(%arg0: i32) -> (i32, i32, i32) {
    %c0_i32 = arith.constant 0 : i32
    %c0_i32_0 = arith.constant 0 : i32
    %c0_i32_1 = arith.constant 0 : i32
    return %c0_i32, %arg0, %c0_i32_0 : i32, i32, i32
  }
  func.func @transform_1(%arg0: i32) -> (i32, i32) {
    %c0_i32 = arith.constant 0 : i32
    %c0_i32_0 = arith.constant 0 : i32
    return %arg0, %c0_i32 : i32, i32
  }
  func.func @transform_2(%arg0: i32) -> (i32, i32) {
    %c0_i32 = arith.constant 0 : i32
    %c0_i32_0 = arith.constant 0 : i32
    return %c0_i32, %arg0 : i32, i32
  }
  func.func @transform_3(%arg0: i32) -> (i32, i32) {
    %c0_i32 = arith.constant 0 : i32
    %c0_i32_0 = arith.constant 0 : i32
    %c0_i32_1 = arith.constant 0 : i32
    return %c0_i32, %c0_i32_0 : i32, i32
  }
  func.func @transform_4(%arg0: i32) -> (i32, i32) {
    %c0_i32 = arith.constant 0 : i32
    %c0_i32_0 = arith.constant 0 : i32
    return %arg0, %c0_i32 : i32, i32
  }
}

</mosaic_0001>

<sc_bundles>
// kernel: kernel.6.cloned.1.call-start
scs
__scs_entry_jumppad:
0x0: {  	(pc) =	sbr.rel $0x88, $3  }
0x1: {  	(tag) =	ssettag $0x0;
	lr =	simm.s32 $0x1  }
0x2: {  	[smem:$0x3F9D] =	sst lr;
	_ =	strace $0xD0000000  }
0x3: {  	_ = 	snop  }
0x4: {  	_ = 	snop  }
0x5: {  	_ = 	snop  }
0x6: {  	_ = 	snop  }
0x7: {  	_ = 	snop  }
__scs_overlays_trampoline_lowered:
0x8: {  	[smem:$0x3FAC] =	sst s0  }
0x9: {  	[smem:$0x3FAD] =	sst s1  }
0xa: {  	[smem:$0x3FAE] =	sst s2  }
0xb: {  	[smem:$0x3FAF] =	sst s3  }
0xc: {  	[smem:$0x3FB0] =	sst s4  }
0xd: {  	[smem:$0x3FB1] =	sst s5  }
0xe: {  	[smem:$0x3FB2] =	sst s6  }
0xf: {  	[smem:$0x3FB3] =	sst s7  }
0x10: {  	[smem:$0x3FB4] =	sst s8  }
0x11: {  	[smem:$0x3FB5] =	sst s9;
	s0 =	simm.s32 @!p0 $0x0  }
0x12: {  	s1 =	sld [smem:$0x3F9B];
	s0 =	simm.s32 @p0 $0x1  }
0x13: {  	[smem:$0x3FB6] =	sst s0;
	s0 =	simm.s32 @!p1 $0x0  }
0x14: {  	s2 =	sld [smem:$0x3F9A];
	s0 =	simm.s32 @p1 $0x1  }
0x15: {  	[smem:$0x3FB7] =	sst s0;
	s0 =	simm.s32 @!p2 $0x0  }
0x16: {  	s3 =	sld [smem:$0x3FDB];
	s0 =	simm.s32 @p2 $0x1  }
0x17: {  	s4 =	simm.s32 $0x1BF5;
	[smem:$0x3FB9] =	sst s0  }
0x18: {  	s0 =	sld [smem:$0x3F9C];
	_ =	swait.ge [sflag:s4], $0x0  }
0x19: {  	s7 =	sld [smem:$0x3F9D]  }
0x1a: {  	s8 =	sadd.s32 $0xFFFFE003, lr  }
0x1b: {  	s9 =	sadd.s32 $0xFFFFFEF7, lr;
	s5 =	simm.s32 $0xFFFFFFFF;
	p2 =	slt.u32 s8, $0xFFFFF086  }
0x1c: {  	p1 =	slt.u32 s9, $0xF7A;
	s5 =	simm.s32 @!p2 $0x0  }
0x1d: {  	s5 =	simm.s32 @p1 $0x1;
	p0 =	seq.s32 s7, s2  }
0x1e: {  	s7 =	smul.u32 @!p0 $0xF7A, s2;
	p2 =	seq.s32 @!p0 s5, $0x0  }
0x1f: {  	s9 =	smul.u32 $0xF7A, s1;
	s8 =	simm.s32 @!p0 $0x1BF5;
	p2 =	por !p2, p0  }
0x20: {  	[sflag:s8] =	ssyncset.s32 @!p0 $0xFFFFF086;
	s6 =	sadd.s32 @!p0 s3, s7;
	s7 =	simm.s32 @!p0 $0x108  }
0x21: {  	s3 =	sadd.s32 s3, s9;
	s6 =	sadd.s32 @!p0 $0x88, s6;
	s7 =	simm.s32 @p2 $0x1082  }
0x22: {  	[simem:s7], [sflag:s8] =	dma.local @!p0 [hbm:s6], $0xF7A  }
0x23: {  	s9 =	sor.u32 $0xD0000000, s2;
	s6 =	simm.s32 $0x108;
	_ =	swait.ge @!p0 [sflag:s8], $0x0  }
0x24: {  	s3 =	sadd.s32 $0x88, s3;
	s6 =	simm.s32 @!p1 $0x1082;
	[sflag:s4] =	ssyncset.s32 $0xFFFFF086  }
0x25: {  	[simem:s6], [sflag:s4] =	dma.local [hbm:s3], $0xF7A  }
0x26: {  	[smem:$0x3F9D] =	sst s1;
	(tag) =	ssettag s2;
	_ =	strace s9  }
0x27: {  	s1 =	sld [smem:$0x3FAD]  }
0x28: {  	s2 =	sld [smem:$0x3FAE]  }
0x29: {  	s4 =	sld [smem:$0x3FB0]  }
0x2a: {  	p0 =	seq.s32 s5, $0x0;
	s5 =	sld [smem:$0x3FB1]  }
0x2b: {  	s6 =	sld [smem:$0x3FB2]  }
0x2c: {  	s7 =	sld [smem:$0x3FB3]  }
0x2d: {  	s3 =	simm.s32 $0x108;
	s8 =	sld [smem:$0x3FB4]  }
0x2e: {  	s3 =	simm.s32 @!p0 $0x1082;
	s9 =	sld [smem:$0x3FB5]  }
0x2f: {  	lr =	sadd.s32 s0, s3;
	s0 =	sld [smem:$0x3FAC]  }
0x30: {  	s3 =	sld [smem:$0x3FAF]  }
0x31: {  	[smem:$0x3FB8] =	sst s10  }
0x32: {  	s10 =	sld [smem:$0x3FB6];
	_ =	sdelay $0x3  }
0x33: {  	p0 =	seq.s32 s10, $0x1;
	s10 =	sld [smem:$0x3FB8];
	_ =	sdelay $0x3  }
0x34: {  	[smem:$0x3FB8] =	sst s10  }
0x35: {  	s10 =	sld [smem:$0x3FB7];
	_ =	sdelay $0x3  }
0x36: {  	p1 =	seq.s32 s10, $0x1;
	s10 =	sld [smem:$0x3FB8];
	_ =	sdelay $0x3  }
0x37: {  	[smem:$0x3FB8] =	sst s10  }
0x38: {  	s10 =	sld [smem:$0x3FB9]  }
0x39: {  	_ = 	snop;
	(pc) =	sbr.ind lr, $3  }
0x3a: {  	_ = 	snop  }
0x3b: {  	_ = 	snop  }
0x3c: {  	p2 =	seq.s32 s10, $0x1;
	s10 =	sld [smem:$0x3FB8]  }
0x3d: {  	_ =	shalt  }
0x3e: {  	_ =	shalt  }
0x3f: {  	_ =	shalt  }
0x40: {  	_ =	shalt  }
0x41: {  	_ =	shalt  }
0x42: {  	_ =	shalt  }
0x43: {  	_ =	shalt  }
0x44: {  	_ =	shalt  }
0x45: {  	_ =	shalt  }
0x46: {  	_ =	shalt  }
0x47: {  	_ =	shalt  }
0x48: {  	_ =	shalt  }
0x49: {  	_ =	shalt  }
0x4a: {  	_ =	shalt  }
0x4b: {  	_ =	shalt  }
0x4c: {  	_ =	shalt  }
0x4d: {  	_ =	shalt  }
0x4e: {  	_ =	shalt  }
0x4f: {  	_ =	shalt  }
0x50: {  	_ =	shalt  }
0x51: {  	_ =	shalt  }
0x52: {  	_ =	shalt  }
0x53: {  	_ =	shalt  }
0x54: {  	_ =	shalt  }
0x55: {  	_ =	shalt  }
0x56: {  	_ =	shalt  }
0x57: {  	_ =	shalt  }
0x58: {  	_ =	shalt  }
0x59: {  	_ =	shalt  }
0x5a: {  	_ =	shalt  }
0x5b: {  	_ =	shalt  }
0x5c: {  	_ =	shalt  }
0x5d: {  	_ =	shalt  }
0x5e: {  	_ =	shalt  }
0x5f: {  	_ =	shalt  }
0x60: {  	_ =	shalt  }
0x61: {  	_ =	shalt  }
0x62: {  	_ =	shalt  }
0x63: {  	_ =	shalt  }
0x64: {  	_ =	shalt  }
0x65: {  	_ =	shalt  }
0x66: {  	_ =	shalt  }
0x67: {  	_ =	shalt  }
0x68: {  	_ =	shalt  }
0x69: {  	_ =	shalt  }
0x6a: {  	_ =	shalt  }
0x6b: {  	_ =	shalt  }
0x6c: {  	_ =	shalt  }
0x6d: {  	_ =	shalt  }
0x6e: {  	_ =	shalt  }
0x6f: {  	_ =	shalt  }
0x70: {  	_ =	shalt  }
0x71: {  	_ =	shalt  }
0x72: {  	_ =	shalt  }
0x73: {  	_ =	shalt  }
0x74: {  	_ =	shalt  }
0x75: {  	_ =	shalt  }
0x76: {  	_ =	shalt  }
0x77: {  	_ =	shalt  }
0x78: {  	_ =	shalt  }
0x79: {  	_ =	shalt  }
0x7a: {  	_ =	shalt  }
0x7b: {  	_ =	shalt  }
0x7c: {  	_ =	shalt  }
0x7d: {  	_ =	shalt  }
0x7e: {  	_ =	shalt  }
0x7f: {  	_ =	shalt  }
0x80: {  	_ =	shalt  }
0x81: {  	_ =	shalt  }
0x82: {  	_ =	shalt  }
0x83: {  	_ =	shalt  }
0x84: {  	_ =	shalt  }
0x85: {  	_ =	shalt  }
0x86: {  	_ =	shalt  }
0x87: {  	_ =	shalt  }
.Lfunc_end0:
.L_simem_size_0:
called_computation_lowered:
.L_overlay_start_0:
0x88: {  	s2 =	sld [smem:$0x3FD9]  }
0x89: {  	s3 =	sld [smem:$0x3FFE];
	_ =	sdelay $0x1  }
0x8a: {  	s1 =	srdreg.scid  }
0x8b: {  	s0 =	sand.u32 $0x1, s1  }
0x8c: {  	s16 =	sshll.u32 s0, $0xA;
	s2 =	sadd.s32 s3, s2  }
0x8d: {  	s2 =	sadd.s32 s2, s16  }
0x8e: {  	[smem:$0x3FC4] =	sst s2  }
0x8f: {  	_ = 	snop  }
0x90: {  	(tm) =	ssettm $0x1  }
0x91: {  	s17 =	sld [smem:$0x3FFB];
	_ =	sdelay $0x3  }
0x92: {  	_ =	strace s17  }
0x93: {  	s2 =	sld [smem:$0x3FFC];
	_ =	sdelay $0x3  }
0x94: {  	_ =	strace s2  }
0x95: {  	s2 =	sld [smem:$0x3FFD];
	_ =	sdelay $0x3  }
0x96: {  	_ =	strace s2  }
0x97: {  	_ =	strace $0x8FFFFFFF  }
0x98: {  	s18 =	sld [smem:$0x3FDB];
	_ =	sdelay $0x1  }
0x99: {  	s19 =	simm.s32 $_scs_section_size  }
0x9a: {  	s4 =	simm.s32 $_size__tile_overlayer_lowered;
	s5 =	simm.s32 $_tile_overlayer_lowered  }
0x9b: {  	s22 =	simm.s32 $0x1BFF;
	s21 =	sshll.u32 s5, $0x1;
	s2 =	sadd.s32 s19, s18  }
0x9c: {  	s6 =	simm.s32 $0x0;
	s20 =	sshll.u32 s4, $0x1;
	s4 =	sadd.s32 s21, s2  }
0x9d: {  	[timem:s6], [sflag:s22] =	dma.local [hbm:s4], s20  }
0x9e: {  	_ =	swait.ge [sflag:s22], s20  }
0x9f: {  	s3 =	ssub.s32 $0x0, s20;
	[sflag:s22] =	ssyncset.done $0x0  }
0xa0: {  	[sflag:s22] =	ssyncadd.s32 s3;
	_ =	sdelay $0x1  }
0xa1: {  	s23 =	simm.s32 $0x1B8B  }
0xa2: {  	_ =	swait.ge [sflag:s23], $0x1  }
0xa3: {  	[sflag:s23] =	ssyncset.done $0x0  }
0xa4: {  	s25 =	simm.s32 $0x1B8E;
	s24 =	sld [smem:$0x3FFE];
	[sflag:s23] =	ssyncadd.s32 $0xFFFFFFFF  }
0xa5: {  	s26 =	simm.s32 $execute0_lowered;
	[smem:$0x3FD2] =	sst s25  }
0xa6: {  	s4 =	sshll.u32 s26, $0x1;
	_ =	strace $0x80000046;
	[dreg:$0x1] =	wrdreg $0xFFFFFFFF  }
0xa7: {  	s28 =	simm.s32 $_size_execute0_lowered;
	s2 =	sadd.s32 s2, s4;
	[dreg:$0x0] =	wrdreg $0x0  }
0xa8: {  	s4 =	sshll.u32 s28, $0x1;
	[dreg:$0x2] =	wrdreg s2  }
0xa9: {  	[dreg:$0x3] =	wrdreg s4  }
0xaa: {  	[dreg:$0x4] =	wrdreg $0xC0  }
0xab: {  	_ =	task [dreg:s6], $0x5FFFF  }
0xac: {  	[dreg:$0x1] =	wrdreg $0xFFFFFFFF  }
0xad: {  	[dreg:$0x0] =	wrdreg $0x60  }
0xae: {  	[dreg:$0x2] =	wrdreg s24  }
0xaf: {  	[dreg:$0x3] =	wrdreg $0x2B000  }
0xb0: {  	[dreg:$0x4] =	wrdreg $0x9  }
0xb1: {  	_ =	task.clear_ibuf [dreg:s6], $0x5FFFF;
	_ =	strace $0x90000046  }
0xb2: {  	s29 =	simm.s32 $0x9;
	_ =	strace $0x80000048  }
0xb3: {  	_ =	swait.ge [sflag:s29], $0x1  }
0xb4: {  	[sflag:s29] =	ssyncadd.s32 $0xFFFFFFFF  }
0xb5: {  	_ =	strace $0x90000048  }
0xb6: {  	_ =	sfence  }
0xb7: {  	s30 =	sld [smem:$0x0];
	_ =	sdelay $0x2  }
0xb8: {  	s31 =	sshll.u32 s1, $0xD;
	s1 =	sshrl.u32 s1, $0x2  }
0xb9: {  	s3 =	sand.u32 $0x4000, s31;
	s1 =	sadd.s32 s1, s30  }
0xba: {  	s0 =	sor.u32 s3, s0;
	s1 =	sshll.u32 s1, $0x11  }
0xbb: {  	s0 =	sor.u32 s1, s0  }
0xbc: {  	s0 =	sadd.s32 $0x8F2B, s0  }
0xbd: {  	[sflag:s0] =	ssyncadd.remote.s32 $0x1  }
0xbe: {  	_ =	sfence.sel $0xFFFF  }
0xbf: {  	[dreg:$0x0] =	wrdreg $0xFFFFFFFF;
	(pc) =	sbr.abs _section_cstart, $3  }
0xc0: {  	[dreg:$0x1] =	wrdreg $0xFFFFFFFF  }
0xc1: {  	_ =	task.clear_ibuf [dreg:s6], $0x2FFFF;
	_ =	strace $0x9FFFFFFF  }
0xc2: {  	(tm) =	ssettm $0x7FFFFFFF  }
0xc3: {  	_ =	shalt  }
tec
execute0_lowered:
.L_overlay_start_1:
0x0: {  	(tag) =	ssettag $0x1  }
0x1: {  	s1 =	srdreg.scid  }
0x2: {  	s0 =	stileid.u32;
	s4 =	rddreg [dreg:$0x0]  }
0x3: {  	s2 =	rddreg [dreg:$0x1];
	s3 =	simm.s32 $0x0;
	s10 =	simm.s32 $0x80  }
0x4: {  	s11 =	simm.s32 $0x2800;
	s12 =	simm.s32 $0x100;
	s13 =	simm.s32 $0x0  }
0x5: {  	s5 =	sand.u32 $0x1, s1;
	s1 =	rddreg [dreg:$0x2];
	s7 =	smul.u32 $0x500, s0  }
0x6: {  	s30 =	sshll.u32 s0, $0x1;
	[smem:$0x7FF] =	sst s3;
	s9 =	smul.u32 $0xA00, s0  }
0x7: {  	s6 =	sor.u32 s5, s30;
	_ =	strace $0x80000047;
	s8 =	sshll.u32 s5, $0x7  }
0x8: {  	s5 =	ssub.s32 $0x2, s5;
	s6 =	smul.u32 $0x500, s6;
	s7 =	sor.u32 s8, s7  }
0x9: {  	s31 =	sshrl.u32 s5, $0x1;
	s9 =	sshrl.u32 s9, $0x2;
	s7 =	sshrl.u32 s7, $0x3  }
0xa: {  	s8 =	ssub.s32 s5, s31;
	s6 =	sadd.s32 s6, s4;
	s7 =	sadd.s32 s7, s4  }
0xb: {  	s4 =	sadd.s32 s9, s2;
	s9 =	simm.s32 $0x1;
	s5 =	sadd.s32 $0x1A00, s6  }
0xc: {  	v0 =	vimm.f32 $0.0e+00;
	v1 =	vimm.f32 $1.000000000e+00;
	s6 =	sadd.s32 $0xBA00, s7;
	s7 =	smax.u32 s8, $0x1;
	s8 =	simm.s32 $0x2880  }
.LBB2_1:
0xd: {  	[tilespmem:$0x2880] =	vst v0  }
0xe: {  	[tilespmem:$0x2890] =	vst v0  }
0xf: {  	[tilespmem:$0x28A0] =	vst v0  }
0x10: {  	[tilespmem:$0x28B0] =	vst v0  }
0x11: {  	[tilespmem:$0x28C0] =	vst v0  }
0x12: {  	[tilespmem:$0x28D0] =	vst v0  }
0x13: {  	[tilespmem:$0x28E0] =	vst v0  }
0x14: {  	[tilespmem:$0x28F0] =	vst v0  }
0x15: {  	[tilespmem:$0x2900] =	vst v0  }
0x16: {  	[tilespmem:$0x2910] =	vst v0  }
0x17: {  	[tilespmem:$0x2920] =	vst v0  }
0x18: {  	[tilespmem:$0x2930] =	vst v0  }
0x19: {  	[tilespmem:$0x2940] =	vst v0  }
0x1a: {  	[tilespmem:$0x2950] =	vst v0  }
0x1b: {  	[tilespmem:$0x2960] =	vst v0  }
0x1c: {  	[tilespmem:$0x2970] =	vst v0  }
0x1d: {  	[tilespmem:$0x2980] =	vst v0  }
0x1e: {  	[tilespmem:$0x2990] =	vst v0  }
0x1f: {  	[tilespmem:$0x29A0] =	vst v0  }
0x20: {  	[tilespmem:$0x29B0] =	vst v0  }
0x21: {  	[tilespmem:$0x29C0] =	vst v0  }
0x22: {  	[tilespmem:$0x29D0] =	vst v0  }
0x23: {  	[tilespmem:$0x29E0] =	vst v0  }
0x24: {  	[tilespmem:$0x29F0] =	vst v0  }
0x25: {  	[tilespmem:$0x2A00] =	vst v0  }
0x26: {  	[tilespmem:$0x2A10] =	vst v0  }
0x27: {  	[tilespmem:$0x2A20] =	vst v0  }
0x28: {  	[tilespmem:$0x2A30] =	vst v0  }
0x29: {  	[tilespmem:$0x2A40] =	vst v0  }
0x2a: {  	[tilespmem:$0x2A50] =	vst v0  }
0x2b: {  	[tilespmem:$0x2A60] =	vst v0  }
0x2c: {  	[tilespmem:$0x2A70] =	vst v0  }
0x2d: {  	[tilespmem:$0x2A80] =	vst v0  }
0x2e: {  	[tilespmem:$0x2A90] =	vst v0  }
0x2f: {  	[tilespmem:$0x2AA0] =	vst v0  }
0x30: {  	[tilespmem:$0x2AB0] =	vst v0  }
0x31: {  	[tilespmem:$0x2AC0] =	vst v0  }
0x32: {  	[tilespmem:$0x2AD0] =	vst v0  }
0x33: {  	[tilespmem:$0x2AE0] =	vst v0  }
0x34: {  	[tilespmem:$0x2AF0] =	vst v0  }
0x35: {  	[tilespmem:$0x2800] =	vst v1  }
0x36: {  	[tilespmem:$0x2810] =	vst v1  }
0x37: {  	[tilespmem:$0x2820] =	vst v1  }
0x38: {  	[tilespmem:$0x2830] =	vst v1  }
0x39: {  	[tilespmem:$0x2840] =	vst v1  }
0x3a: {  	[tilespmem:$0x2850] =	vst v1  }
0x3b: {  	[tilespmem:$0x2860] =	vst v1  }
0x3c: {  	[tilespmem:$0x2870] =	vst v1  }
0x3d: {  	[spmem:s4] =	stream.linear.scatter [tilespmem:s8], [sflag:$0x1], $0x280, $0x38;
	[tilespmem:$0x2D80] =	vst v63  }
0x3e: {  	_ =	swait.ge [sflag:s9], $0x280  }
0x3f: {  	[sflag:s9] =	ssyncset.done $0x0  }
0x40: {  	[sflag:s9] =	ssyncadd.s32 $0xFFFFFD80  }
0x41: {  	[tilespmem:s3], [sflag:$0x1] =	stream.linear.gather [hbm4b:s5+s3], $0x2780, $0x38;
	[tilespmem:$0x2D80] =	vst v63  }
0x42: {  	_ =	swait.ge [sflag:s9], $0x2780  }
0x43: {  	[sflag:s9] =	ssyncset.done $0x0  }
0x44: {  	[sflag:s9] =	ssyncadd.s32 $0xFFFFD880  }
0x45: {  	s14 =	simm.s32 $0x0;
	[bflag:$0x0] =	sbarrier.arrive $0xFFFF  }
0x46: {  	[spmem:s2] =	stream.indirect.scatter.add.f32 [tilespmem:s11], [sflag:$0x1], $0x1, s14, s10, $0xb8;
	[tilespmem:$0x2D80] =	vst v63  }
0x47: {  	_ =	swait.ge [sflag:s9], $0x80  }
0x48: {  	s14 =	simm.s32 $0x200;
	[sflag:s9] =	ssyncset.done $0x0  }
.LBB2_2:
0x49: {  	s15 =	sshra.s32 s14, $0x2;
	[sflag:s9] =	ssyncadd.s32 $0xFFFFFF80;
	p0 =	sne.s32 s14, $0x9C00  }
0x4a: {  	[spmem:s2] =	stream.indirect.scatter.add.f32 [tilespmem:s11], [sflag:$0x1], $0x1, s15, s10, $0xb8;
	[tilespmem:$0x2D80] =	vst v63  }
.Ltmp0:
0x4b: {  	_ = 	snop;
	(pc) =	sbr.rel @p0 .LBB2_2-.Ltmp0, $4  }
0x4c: {  	_ = 	snop  }
0x4d: {  	s14 =	sadd.s32 $0x200, s14  }
0x4e: {  	_ =	swait.ge [sflag:s9], $0x80  }
0x4f: {  	[sflag:s9] =	ssyncset.done $0x0  }
0x50: {  	[sflag:s9] =	ssyncadd.s32 $0xFFFFFF80  }
0x51: {  	[bflag:$0x0] =	sbarrier.arrive $0xFFFF  }
0x52: {  	[tilespmem:s8], [sflag:$0x1] =	stream.linear.gather [spmem:s4], $0x280, $0x38;
	[tilespmem:$0x2D80] =	vst v63  }
0x53: {  	s13 =	sadd.s32 $0x1, s13;
	_ =	swait.ge [sflag:s9], $0x280  }
0x54: {  	p0 =	sne.s32 s13, s7;
	[sflag:s9] =	ssyncset.done $0x0  }
.Ltmp1:
0x55: {  	[sflag:s9] =	ssyncadd.s32 $0xFFFFFD80;
	(pc) =	sbr.rel @p0 .LBB2_1-.Ltmp1, $4  }
0x56: {  	[hbm4b:s6+s10] =	stream.strided.scatter [tilespmem:s8], [sflag:$0x1], $0x280, s12, s10, $0x38;
	[tilespmem:$0x2D80] =	vst v63  }
0x57: {  	_ =	swait.ge [sflag:s9], $0x280  }
0x58: {  	[sflag:s9] =	ssyncset.done $0x0  }
0x59: {  	[sflag:s9] =	ssyncadd.s32 $0xFFFFFD80  }
0x5a: {  	_ =	sfence.sel $0x180000  }
0x5b: {  	[bflag:$0x0] =	sbarrier.arrive $0xFFFF  }
0x5c: {  	p0 =	sne.s32 s0, $0x0;
	_ =	strace $0x90000047  }
0x5d: {  	s0 =	sadd.s32 @!p0 $0x100000, s1;
	[bflag:$0x2] =	sbarrier.arrive $0xFFFF  }
0x5e: {  	[sflag:s0] =	ssyncadd.tile.s32 @!p0 $0x1;
	_ =	shalt  }
.Lfunc_end2:
_tile_overlayer_lowered:
.L_overlay_start_2:
0x5f: {  	(tag) =	ssettag $0x2  }
0x60: {  	s0 =	rddreg [dreg:$0x0];
	s2 =	stileid.u32  }
0x61: {  	s1 =	rddreg [dreg:$0x1];
	p0 =	sne.s32 s2, $0x0  }
0x62: {  	s3 =	rddreg [dreg:$0x2];
	[bflag:$0x3] =	sbarrier.arrive $0xFFFF;
	s2 =	simm.s32 @!p0 $0x1C01  }
0x63: {  	[timem:s3], [sflag:s2] =	dma.local @!p0 [hbm:s0], s1  }
0x64: {  	s0 =	simm.s32 @!p0 $0x1  }
0x65: {  	_ =	swait.ge @!p0 [sflag:s0], s1  }
0x66: {  	s1 =	ssub.s32 @!p0 $0x0, s1;
	[sflag:s0] =	ssyncset.done @!p0 $0x0  }
0x67: {  	[sflag:s0] =	ssyncadd.s32 @!p0 s1  }
0x68: {  	[bflag:$0x3] =	sbarrier.arrive $0xFFFF  }
0x69: {  	_ =	shalt  }

// kernel: kernel.9.cloned.1.call-start
scs
__scs_entry_jumppad:
0x0: {  	(pc) =	sbr.rel $0x88, $3  }
0x1: {  	(tag) =	ssettag $0x0;
	lr =	simm.s32 $0x1  }
0x2: {  	[smem:$0x3F9D] =	sst lr;
	_ =	strace $0xD0000000  }
0x3: {  	_ = 	snop  }
0x4: {  	_ = 	snop  }
0x5: {  	_ = 	snop  }
0x6: {  	_ = 	snop  }
0x7: {  	_ = 	snop  }
__scs_overlays_trampoline_lowered:
0x8: {  	[smem:$0x3FAC] =	sst s0  }
0x9: {  	[smem:$0x3FAD] =	sst s1  }
0xa: {  	[smem:$0x3FAE] =	sst s2  }
0xb: {  	[smem:$0x3FAF] =	sst s3  }
0xc: {  	[smem:$0x3FB0] =	sst s4  }
0xd: {  	[smem:$0x3FB1] =	sst s5  }
0xe: {  	[smem:$0x3FB2] =	sst s6  }
0xf: {  	[smem:$0x3FB3] =	sst s7  }
0x10: {  	[smem:$0x3FB4] =	sst s8  }
0x11: {  	[smem:$0x3FB5] =	sst s9;
	s0 =	simm.s32 @!p0 $0x0  }
0x12: {  	s1 =	sld [smem:$0x3F9B];
	s0 =	simm.s32 @p0 $0x1  }
0x13: {  	[smem:$0x3FB6] =	sst s0;
	s0 =	simm.s32 @!p1 $0x0  }
0x14: {  	s2 =	sld [smem:$0x3F9A];
	s0 =	simm.s32 @p1 $0x1  }
0x15: {  	[smem:$0x3FB7] =	sst s0;
	s0 =	simm.s32 @!p2 $0x0  }
0x16: {  	s3 =	sld [smem:$0x3FDB];
	s0 =	simm.s32 @p2 $0x1  }
0x17: {  	s4 =	simm.s32 $0x1BF5;
	[smem:$0x3FB9] =	sst s0  }
0x18: {  	s0 =	sld [smem:$0x3F9C];
	_ =	swait.ge [sflag:s4], $0x0  }
0x19: {  	s7 =	sld [smem:$0x3F9D]  }
0x1a: {  	s8 =	sadd.s32 $0xFFFFE003, lr  }
0x1b: {  	s9 =	sadd.s32 $0xFFFFFEF7, lr;
	s5 =	simm.s32 $0xFFFFFFFF;
	p2 =	slt.u32 s8, $0xFFFFF086  }
0x1c: {  	p1 =	slt.u32 s9, $0xF7A;
	s5 =	simm.s32 @!p2 $0x0  }
0x1d: {  	s5 =	simm.s32 @p1 $0x1;
	p0 =	seq.s32 s7, s2  }
0x1e: {  	s7 =	smul.u32 @!p0 $0xF7A, s2;
	p2 =	seq.s32 @!p0 s5, $0x0  }
0x1f: {  	s9 =	smul.u32 $0xF7A, s1;
	s8 =	simm.s32 @!p0 $0x1BF5;
	p2 =	por !p2, p0  }
0x20: {  	[sflag:s8] =	ssyncset.s32 @!p0 $0xFFFFF086;
	s6 =	sadd.s32 @!p0 s3, s7;
	s7 =	simm.s32 @!p0 $0x108  }
0x21: {  	s3 =	sadd.s32 s3, s9;
	s6 =	sadd.s32 @!p0 $0x88, s6;
	s7 =	simm.s32 @p2 $0x1082  }
0x22: {  	[simem:s7], [sflag:s8] =	dma.local @!p0 [hbm:s6], $0xF7A  }
0x23: {  	s9 =	sor.u32 $0xD0000000, s2;
	s6 =	simm.s32 $0x108;
	_ =	swait.ge @!p0 [sflag:s8], $0x0  }
0x24: {  	s3 =	sadd.s32 $0x88, s3;
	s6 =	simm.s32 @!p1 $0x1082;
	[sflag:s4] =	ssyncset.s32 $0xFFFFF086  }
0x25: {  	[simem:s6], [sflag:s4] =	dma.local [hbm:s3], $0xF7A  }
0x26: {  	[smem:$0x3F9D] =	sst s1;
	(tag) =	ssettag s2;
	_ =	strace s9  }
0x27: {  	s1 =	sld [smem:$0x3FAD]  }
0x28: {  	s2 =	sld [smem:$0x3FAE]  }
0x29: {  	s4 =	sld [smem:$0x3FB0]  }
0x2a: {  	p0 =	seq.s32 s5, $0x0;
	s5 =	sld [smem:$0x3FB1]  }
0x2b: {  	s6 =	sld [smem:$0x3FB2]  }
0x2c: {  	s7 =	sld [smem:$0x3FB3]  }
0x2d: {  	s3 =	simm.s32 $0x108;
	s8 =	sld [smem:$0x3FB4]  }
0x2e: {  	s3 =	simm.s32 @!p0 $0x1082;
	s9 =	sld [smem:$0x3FB5]  }
0x2f: {  	lr =	sadd.s32 s0, s3;
	s0 =	sld [smem:$0x3FAC]  }
0x30: {  	s3 =	sld [smem:$0x3FAF]  }
0x31: {  	[smem:$0x3FB8] =	sst s10  }
0x32: {  	s10 =	sld [smem:$0x3FB6];
	_ =	sdelay $0x3  }
0x33: {  	p0 =	seq.s32 s10, $0x1;
	s10 =	sld [smem:$0x3FB8];
	_ =	sdelay $0x3  }
0x34: {  	[smem:$0x3FB8] =	sst s10  }
0x35: {  	s10 =	sld [smem:$0x3FB7];
	_ =	sdelay $0x3  }
0x36: {  	p1 =	seq.s32 s10, $0x1;
	s10 =	sld [smem:$0x3FB8];
	_ =	sdelay $0x3  }
0x37: {  	[smem:$0x3FB8] =	sst s10  }
0x38: {  	s10 =	sld [smem:$0x3FB9]  }
0x39: {  	_ = 	snop;
	(pc) =	sbr.ind lr, $3  }
0x3a: {  	_ = 	snop  }
0x3b: {  	_ = 	snop  }
0x3c: {  	p2 =	seq.s32 s10, $0x1;
	s10 =	sld [smem:$0x3FB8]  }
0x3d: {  	_ =	shalt  }
0x3e: {  	_ =	shalt  }
0x3f: {  	_ =	shalt  }
0x40: {  	_ =	shalt  }
0x41: {  	_ =	shalt  }
0x42: {  	_ =	shalt  }
0x43: {  	_ =	shalt  }
0x44: {  	_ =	shalt  }
0x45: {  	_ =	shalt  }
0x46: {  	_ =	shalt  }
0x47: {  	_ =	shalt  }
0x48: {  	_ =	shalt  }
0x49: {  	_ =	shalt  }
0x4a: {  	_ =	shalt  }
0x4b: {  	_ =	shalt  }
0x4c: {  	_ =	shalt  }
0x4d: {  	_ =	shalt  }
0x4e: {  	_ =	shalt  }
0x4f: {  	_ =	shalt  }
0x50: {  	_ =	shalt  }
0x51: {  	_ =	shalt  }
0x52: {  	_ =	shalt  }
0x53: {  	_ =	shalt  }
0x54: {  	_ =	shalt  }
0x55: {  	_ =	shalt  }
0x56: {  	_ =	shalt  }
0x57: {  	_ =	shalt  }
0x58: {  	_ =	shalt  }
0x59: {  	_ =	shalt  }
0x5a: {  	_ =	shalt  }
0x5b: {  	_ =	shalt  }
0x5c: {  	_ =	shalt  }
0x5d: {  	_ =	shalt  }
0x5e: {  	_ =	shalt  }
0x5f: {  	_ =	shalt  }
0x60: {  	_ =	shalt  }
0x61: {  	_ =	shalt  }
0x62: {  	_ =	shalt  }
0x63: {  	_ =	shalt  }
0x64: {  	_ =	shalt  }
0x65: {  	_ =	shalt  }
0x66: {  	_ =	shalt  }
0x67: {  	_ =	shalt  }
0x68: {  	_ =	shalt  }
0x69: {  	_ =	shalt  }
0x6a: {  	_ =	shalt  }
0x6b: {  	_ =	shalt  }
0x6c: {  	_ =	shalt  }
0x6d: {  	_ =	shalt  }
0x6e: {  	_ =	shalt  }
0x6f: {  	_ =	shalt  }
0x70: {  	_ =	shalt  }
0x71: {  	_ =	shalt  }
0x72: {  	_ =	shalt  }
0x73: {  	_ =	shalt  }
0x74: {  	_ =	shalt  }
0x75: {  	_ =	shalt  }
0x76: {  	_ =	shalt  }
0x77: {  	_ =	shalt  }
0x78: {  	_ =	shalt  }
0x79: {  	_ =	shalt  }
0x7a: {  	_ =	shalt  }
0x7b: {  	_ =	shalt  }
0x7c: {  	_ =	shalt  }
0x7d: {  	_ =	shalt  }
0x7e: {  	_ =	shalt  }
0x7f: {  	_ =	shalt  }
0x80: {  	_ =	shalt  }
0x81: {  	_ =	shalt  }
0x82: {  	_ =	shalt  }
0x83: {  	_ =	shalt  }
0x84: {  	_ =	shalt  }
0x85: {  	_ =	shalt  }
0x86: {  	_ =	shalt  }
0x87: {  	_ =	shalt  }
.Lfunc_end0:
.L_simem_size_0:
called_computation.1_lowered:
.L_overlay_start_0:
0x88: {  	s2 =	sld [smem:$0x3FD9]  }
0x89: {  	s3 =	sld [smem:$0x3FFE];
	_ =	sdelay $0x1  }
0x8a: {  	s1 =	srdreg.scid  }
0x8b: {  	s0 =	sand.u32 $0x1, s1  }
0x8c: {  	s17 =	sshll.u32 s0, $0xA;
	s2 =	sadd.s32 s3, s2  }
0x8d: {  	s2 =	sadd.s32 s2, s17  }
0x8e: {  	[smem:$0x3FC4] =	sst s2  }
0x8f: {  	_ = 	snop  }
0x90: {  	s2 =	sld [smem:$0x3FD0];
	(tm) =	ssettm $0x1  }
0x91: {  	s18 =	sld [smem:$0x3FFB];
	_ =	sdelay $0x3  }
0x92: {  	_ =	strace s18  }
0x93: {  	s3 =	sld [smem:$0x3FFC];
	_ =	sdelay $0x3  }
0x94: {  	_ =	strace s3  }
0x95: {  	s3 =	sld [smem:$0x3FFD];
	_ =	sdelay $0x3  }
0x96: {  	_ =	strace s3  }
0x97: {  	_ =	strace $0x8FFFFFFF  }
0x98: {  	s19 =	sld [smem:$0x3FDB];
	_ =	sdelay $0x1  }
0x99: {  	s4 =	simm.s32 $_scs_section_size  }
0x9a: {  	s5 =	simm.s32 $_size__tile_overlayer_lowered;
	s6 =	simm.s32 $_tile_overlayer_lowered  }
0x9b: {  	s22 =	simm.s32 $0x1BFF;
	s21 =	sshll.u32 s6, $0x1;
	s3 =	sadd.s32 s4, s19  }
0x9c: {  	s7 =	simm.s32 $0x0;
	s20 =	sshll.u32 s5, $0x1;
	s5 =	sadd.s32 s21, s3  }
0x9d: {  	[timem:s7], [sflag:s22] =	dma.local [hbm:s5], s20  }
0x9e: {  	_ =	swait.ge [sflag:s22], s20  }
0x9f: {  	s4 =	ssub.s32 $0x0, s20;
	[sflag:s22] =	ssyncset.done $0x0  }
0xa0: {  	[sflag:s22] =	ssyncadd.s32 s4;
	_ =	sdelay $0x1  }
0xa1: {  	s23 =	simm.s32 $0x1B8B  }
0xa2: {  	_ =	swait.ge [sflag:s23], $0x1  }
0xa3: {  	[sflag:s23] =	ssyncset.done $0x0  }
0xa4: {  	s25 =	simm.s32 $0x1B8E;
	s24 =	sld [smem:$0x3FFE];
	[sflag:s23] =	ssyncadd.s32 $0xFFFFFFFF  }
0xa5: {  	s26 =	simm.s32 $execute0_lowered;
	[smem:$0x3FD2] =	sst s25  }
0xa6: {  	s5 =	sshll.u32 s26, $0x1;
	_ =	strace $0x80000049;
	[dreg:$0x1] =	wrdreg $0xFFFFFFFF  }
0xa7: {  	s28 =	simm.s32 $_size_execute0_lowered;
	s3 =	sadd.s32 s3, s5;
	[dreg:$0x0] =	wrdreg $0x0  }
0xa8: {  	s5 =	sshll.u32 s28, $0x1;
	[dreg:$0x2] =	wrdreg s3  }
0xa9: {  	[dreg:$0x3] =	wrdreg s5  }
0xaa: {  	[dreg:$0x4] =	wrdreg $0xC0  }
0xab: {  	_ =	task [dreg:s7], $0x5FFFF  }
0xac: {  	[dreg:$0x1] =	wrdreg $0xFFFFFFFF  }
0xad: {  	[dreg:$0x0] =	wrdreg $0x60  }
0xae: {  	[dreg:$0x2] =	wrdreg s2  }
0xaf: {  	[dreg:$0x3] =	wrdreg s24  }
0xb0: {  	[dreg:$0x4] =	wrdreg $0xB8000  }
0xb1: {  	[dreg:$0x5] =	wrdreg $0x9  }
0xb2: {  	_ =	task.clear_ibuf [dreg:s7], $0x6FFFF;
	_ =	strace $0x90000049  }
0xb3: {  	s29 =	simm.s32 $0x9;
	_ =	strace $0x8000004B  }
0xb4: {  	_ =	swait.ge [sflag:s29], $0x1  }
0xb5: {  	[sflag:s29] =	ssyncadd.s32 $0xFFFFFFFF  }
0xb6: {  	_ =	strace $0x9000004B  }
0xb7: {  	_ =	sfence  }
0xb8: {  	s30 =	sld [smem:$0x0];
	_ =	sdelay $0x2  }
0xb9: {  	s31 =	sshll.u32 s1, $0xD;
	s1 =	sshrl.u32 s1, $0x2  }
0xba: {  	s3 =	sand.u32 $0x4000, s31;
	s1 =	sadd.s32 s1, s30  }
0xbb: {  	s0 =	sor.u32 s3, s0;
	s1 =	sshll.u32 s1, $0x11  }
0xbc: {  	s0 =	sor.u32 s1, s0  }
0xbd: {  	s0 =	sadd.s32 $0x8F2B, s0  }
0xbe: {  	[sflag:s0] =	ssyncadd.remote.s32 $0x1  }
0xbf: {  	_ =	sfence.sel $0xFFFF  }
0xc0: {  	[dreg:$0x0] =	wrdreg $0xFFFFFFFF;
	(pc) =	sbr.abs _section_cstart, $3  }
0xc1: {  	[dreg:$0x1] =	wrdreg $0xFFFFFFFF  }
0xc2: {  	_ =	task.clear_ibuf [dreg:s7], $0x2FFFF;
	_ =	strace $0x9FFFFFFF  }
0xc3: {  	(tm) =	ssettm $0x7FFFFFFF  }
tec
execute0_lowered:
.L_overlay_start_1:
0x0: {  	(tag) =	ssettag $0x1  }
0x1: {  	s0 =	rddreg [dreg:$0x0];
	s1 =	srdreg.scid  }
0x2: {  	s16 =	stileid.u32;
	s5 =	rddreg [dreg:$0x1]  }
0x3: {  	s2 =	rddreg [dreg:$0x2];
	s29 =	simm.s32 $0x80;
	s30 =	simm.s32 $0x5000  }
0x4: {  	s1 =	sand.u32 $0x1, s1;
	s3 =	sshll.u32 s16, $0x1;
	s7 =	smul.u32 $0x50000, s16  }
0x5: {  	s31 =	simm.s32 $0x1;
	s12 =	smul.u32 $0x14000, s16;
	s4 =	sor.u32 s1, s3  }
0x6: {  	s3 =	simm.s32 $0x0;
	s8 =	ssub.s32 $0x2, s1;
	s1 =	smul.u32 $0x140000, s1  }
0x7: {  	s9 =	sadd.s32 $0x33A00, s5;
	s6 =	smul.u32 $0x500, s4;
	[smem:$0x7FF] =	sst s3  }
0x8: {  	s4 =	sadd.s32 $0xBA00, s5;
	s25 =	sshrl.u32 s8, $0x1;
	s19 =	sor.u32 $0x2800, s12  }
0x9: {  	s15 =	sshrl.u32 s7, $0x2;
	s7 =	sadd.s32 $0x5000, s12;
	s21 =	sadd.s32 $0x7800, s12  }
0xa: {  	s22 =	sadd.s32 $0xA000, s12;
	s23 =	sadd.s32 $0xC800, s12;
	s24 =	sadd.s32 $0xF000, s12  }
0xb: {  	_ =	strace $0x8000004A;
	[dreg:$0x4] =	wrdreg s9;
	s18 =	ssub.s32 s8, s25  }
0xc: {  	s26 =	sadd.s32 s1, s12;
	s28 =	sadd.s32 s1, s19;
	s14 =	sadd.s32 s1, s7  }
0xd: {  	s10 =	sadd.s32 s1, s21;
	s11 =	sadd.s32 s1, s22;
	s13 =	sadd.s32 s1, s23  }
0xe: {  	s25 =	sadd.s32 $0x11800, s12;
	s15 =	sadd.s32 s15, s2;
	s19 =	sadd.s32 s19, s2  }
0xf: {  	s21 =	sadd.s32 s21, s2;
	s22 =	sadd.s32 s22, s2;
	s23 =	sadd.s32 s23, s2  }
0x10: {  	s17 =	sadd.s32 s6, s5;
	s5 =	sadd.s32 $0x36200, s5;
	s0 =	sadd.s32 s0, s6  }
0x11: {  	s6 =	sshrl.u32 s26, $0x3;
	s8 =	sshrl.u32 s28, $0x3;
	s9 =	sshrl.u32 s14, $0x3  }
0x12: {  	s10 =	sshrl.u32 s10, $0x3;
	s11 =	sshrl.u32 s11, $0x3;
	s20 =	sshrl.u32 s13, $0x3  }
0x13: {  	s26 =	sadd.s32 s1, s24;
	s1 =	sadd.s32 s1, s25;
	s28 =	sshll.u32 s16, $0x6  }
0x14: {  	s18 =	smax.u32 s18, $0x1;
	s24 =	sadd.s32 s24, s2;
	s25 =	sadd.s32 s25, s2  }
0x15: {  	[dreg:$0x5] =	wrdreg s0;
	s0 =	sadd.s32 s5, s6;
	s8 =	sadd.s32 s5, s8  }
0x16: {  	s9 =	sadd.s32 s5, s9;
	s10 =	sadd.s32 s5, s10;
	s11 =	sadd.s32 s5, s11  }
0x17: {  	s12 =	sadd.s32 s5, s20;
	s13 =	sshrl.u32 s26, $0x3;
	s1 =	sshrl.u32 s1, $0x3  }
0x18: {  	s16 =	sor.u32 $0x1C02, s28;
	s17 =	sadd.s32 $0x1A00, s17;
	s20 =	sadd.s32 s7, s2  }
0x19: {  	s26 =	simm.s32 $0x2;
	[dreg:$0x6] =	wrdreg s0;
	s13 =	sadd.s32 s5, s13  }
0x1a: {  	s14 =	sadd.s32 s5, s1;
	s1 =	simm.s32 $0x9000;
	s0 =	simm.s32 $0x0  }
.LBB2_1:
0x1b: {  	s5 =	sshrl.u32 s15, $0x3;
	s6 =	rddreg [dreg:$0x4]  }
0x1c: {  	[spmem:s5], [sflag:s16] =	dma.local [hbm:s6], $0x2800  }
0x1d: {  	_ =	swait.ge [sflag:s26], $0x2800  }
0x1e: {  	[sflag:s26] =	ssyncset.done $0x0  }
0x1f: {  	s6 =	rddreg [dreg:$0x5];
	[sflag:s26] =	ssyncadd.s32 $0xFFFFD800  }
0x20: {  	[tilespmem:s3], [sflag:$0x2] =	stream.linear.gather [hbm4b:s6+s3], $0x2780, $0x38;
	[tilespmem:$0x1F800] =	vst v63  }
0x21: {  	_ =	swait.ge [sflag:s26], $0x2780  }
0x22: {  	[sflag:s26] =	ssyncset.done $0x0  }
0x23: {  	s7 =	simm.s32 $0x2800;
	[sflag:s26] =	ssyncadd.s32 $0xFFFFD880  }
0x24: {  	[tilespmem:s7], [sflag:$0x2] =	stream.linear.gather [hbm4b:s17+s3], $0x2780, $0x38;
	[tilespmem:$0x1F800] =	vst v63  }
0x25: {  	_ =	swait.ge [sflag:s26], $0x2780  }
0x26: {  	[sflag:s26] =	ssyncset.done $0x0  }
0x27: {  	[sflag:s26] =	ssyncadd.s32 $0xFFFFD880  }
0x28: {  	s6 =	simm.s32 $0x0;
	[bflag:$0x0] =	sbarrier.arrive $0xFFFF  }
0x29: {  	[tilespmem:s30], [sflag:$0x1] =	stream.indirect.gather [hbm4b:s4+s29], $0x80, s6, s29, $0xb8;
	[tilespmem:$0x1F800] =	vst v63  }
0x2a: {  	_ =	swait.ge [sflag:s31], $0x4000  }
0x2b: {  	[sflag:s31] =	ssyncset.done $0x0  }
0x2c: {  	s7 =	simm.s32 $0x2800;
	[sflag:s31] =	ssyncadd.s32 $0xFFFFC000  }
0x2d: {  	[spmem:s2] =	stream.indirect.scatter.add.f32 [tilespmem:s30], [sflag:$0x2], $0x80, s7, s29, $0xb8;
	[tilespmem:$0x1F800] =	vst v63  }
0x2e: {  	_ =	swait.ge [sflag:s26], $0x4000  }
0x2f: {  	s28 =	simm.s32 $0x200;
	s5 =	simm.s32 $0x400;
	[sflag:s26] =	ssyncset.done $0x0  }
.LBB2_2:
0x30: {  	s6 =	sshra.s32 s28, $0x2  }
0x31: {  	[sflag:s26] =	ssyncadd.s32 $0xFFFFC000;
	s28 =	smov.u32 s5;
	s7 =	sadd.s32 $0x200, s5  }
0x32: {  	[tilespmem:s30], [sflag:$0x1] =	stream.indirect.gather [hbm4b:s4+s29], $0x80, s6, s29, $0xb8;
	[tilespmem:$0x1F800] =	vst v63  }
0x33: {  	p0 =	sne.s32 s5, $0x9C00;
	_ =	swait.ge [sflag:s31], $0x4000  }
.Ltmp0:
0x34: {  	[sflag:s31] =	ssyncset.done $0x0;
	(pc) =	sbr.rel @p0 .LBB2_2-.Ltmp0, $4  }
0x35: {  	s5 =	sadd.s32 $0x2800, s6;
	[sflag:s31] =	ssyncadd.s32 $0xFFFFC000  }
0x36: {  	[spmem:s2] =	stream.indirect.scatter.add.f32 [tilespmem:s30], [sflag:$0x2], $0x80, s5, s29, $0xb8;
	[tilespmem:$0x1F800] =	vst v63  }
0x37: {  	_ =	swait.ge [sflag:s26], $0x4000  }
0x38: {  	s5 =	smov.u32 s7;
	[sflag:s26] =	ssyncset.done $0x0  }
0x39: {  	s5 =	sshra.s32 s28, $0x2;
	[sflag:s26] =	ssyncadd.s32 $0xFFFFC000  }
0x3a: {  	[tilespmem:s30], [sflag:$0x1] =	stream.indirect.gather [hbm4b:s4+s29], $0x80, s5, s29, $0xb8;
	[tilespmem:$0x1F800] =	vst v63  }
0x3b: {  	_ =	swait.ge [sflag:s31], $0x4000  }
0x3c: {  	[sflag:s31] =	ssyncset.done $0x0  }
0x3d: {  	s5 =	sadd.s32 $0x2800, s5;
	[sflag:s31] =	ssyncadd.s32 $0xFFFFC000  }
0x3e: {  	[spmem:s2] =	stream.indirect.scatter.add.f32 [tilespmem:s30], [sflag:$0x2], $0x80, s5, s29, $0xb8;
	[tilespmem:$0x1F800] =	vst v63  }
0x3f: {  	_ =	swait.ge [sflag:s26], $0x4000  }
0x40: {  	[sflag:s26] =	ssyncset.done $0x0  }
0x41: {  	[sflag:s26] =	ssyncadd.s32 $0xFFFFC000  }
0x42: {  	[bflag:$0x0] =	sbarrier.arrive $0xFFFF  }
0x43: {  	[tilespmem:s1], [sflag:$0x2] =	stream.linear.gather [spmem:s15], $0x2800, $0x38;
	[tilespmem:$0x1F800] =	vst v63  }
0x44: {  	_ =	swait.ge [sflag:s26], $0x2800  }
0x45: {  	[sflag:s26] =	ssyncset.done $0x0  }
0x46: {  	s28 =	rddreg [dreg:$0x6];
	[sflag:s26] =	ssyncadd.s32 $0xFFFFD800  }
0x47: {  	[hbm4b:s28+s3] =	stream.linear.scatter [tilespmem:s1], [sflag:$0x2], $0x2800, $0x38;
	[tilespmem:$0x1F800] =	vst v63  }
0x48: {  	_ =	swait.ge [sflag:s26], $0x2800  }
0x49: {  	[sflag:s26] =	ssyncset.done $0x0  }
0x4a: {  	[sflag:s26] =	ssyncadd.s32 $0xFFFFD800  }
0x4b: {  	[tilespmem:s1], [sflag:$0x2] =	stream.linear.gather [spmem:s19], $0x2800, $0x38;
	[tilespmem:$0x1F800] =	vst v63  }
0x4c: {  	_ =	swait.ge [sflag:s26], $0x2800  }
0x4d: {  	[sflag:s26] =	ssyncset.done $0x0  }
0x4e: {  	[sflag:s26] =	ssyncadd.s32 $0xFFFFD800  }
0x4f: {  	[hbm4b:s8+s3] =	stream.linear.scatter [tilespmem:s1], [sflag:$0x2], $0x2800, $0x38;
	[tilespmem:$0x1F800] =	vst v63  }
0x50: {  	_ =	swait.ge [sflag:s26], $0x2800  }
0x51: {  	[sflag:s26] =	ssyncset.done $0x0  }
0x52: {  	[sflag:s26] =	ssyncadd.s32 $0xFFFFD800  }
0x53: {  	[tilespmem:s1], [sflag:$0x2] =	stream.linear.gather [spmem:s20], $0x2800, $0x38;
	[tilespmem:$0x1F800] =	vst v63  }
0x54: {  	_ =	swait.ge [sflag:s26], $0x2800  }
0x55: {  	[sflag:s26] =	ssyncset.done $0x0  }
0x56: {  	[sflag:s26] =	ssyncadd.s32 $0xFFFFD800  }
0x57: {  	[hbm4b:s9+s3] =	stream.linear.scatter [tilespmem:s1], [sflag:$0x2], $0x2800, $0x38;
	[tilespmem:$0x1F800] =	vst v63  }
0x58: {  	_ =	swait.ge [sflag:s26], $0x2800  }
0x59: {  	[sflag:s26] =	ssyncset.done $0x0  }
0x5a: {  	[sflag:s26] =	ssyncadd.s32 $0xFFFFD800  }
0x5b: {  	[tilespmem:s1], [sflag:$0x2] =	stream.linear.gather [spmem:s21], $0x2800, $0x38;
	[tilespmem:$0x1F800] =	vst v63  }
0x5c: {  	_ =	swait.ge [sflag:s26], $0x2800  }
0x5d: {  	[sflag:s26] =	ssyncset.done $0x0  }
0x5e: {  	[sflag:s26] =	ssyncadd.s32 $0xFFFFD800  }
0x5f: {  	[hbm4b:s10+s3] =	stream.linear.scatter [tilespmem:s1], [sflag:$0x2], $0x2800, $0x38;
	[tilespmem:$0x1F800] =	vst v63  }
0x60: {  	_ =	swait.ge [sflag:s26], $0x2800  }
0x61: {  	[sflag:s26] =	ssyncset.done $0x0  }
0x62: {  	[sflag:s26] =	ssyncadd.s32 $0xFFFFD800  }
0x63: {  	[tilespmem:s1], [sflag:$0x2] =	stream.linear.gather [spmem:s22], $0x2800, $0x38;
	[tilespmem:$0x1F800] =	vst v63  }
0x64: {  	_ =	swait.ge [sflag:s26], $0x2800  }
0x65: {  	[sflag:s26] =	ssyncset.done $0x0  }
0x66: {  	[sflag:s26] =	ssyncadd.s32 $0xFFFFD800  }
0x67: {  	[hbm4b:s11+s3] =	stream.linear.scatter [tilespmem:s1], [sflag:$0x2], $0x2800, $0x38;
	[tilespmem:$0x1F800] =	vst v63  }
0x68: {  	_ =	swait.ge [sflag:s26], $0x2800  }
0x69: {  	[sflag:s26] =	ssyncset.done $0x0  }
0x6a: {  	[sflag:s26] =	ssyncadd.s32 $0xFFFFD800  }
0x6b: {  	[tilespmem:s1], [sflag:$0x2] =	stream.linear.gather [spmem:s23], $0x2800, $0x38;
	[tilespmem:$0x1F800] =	vst v63  }
0x6c: {  	_ =	swait.ge [sflag:s26], $0x2800  }
0x6d: {  	[sflag:s26] =	ssyncset.done $0x0  }
0x6e: {  	[sflag:s26] =	ssyncadd.s32 $0xFFFFD800  }
0x6f: {  	[hbm4b:s12+s3] =	stream.linear.scatter [tilespmem:s1], [sflag:$0x2], $0x2800, $0x38;
	[tilespmem:$0x1F800] =	vst v63  }
0x70: {  	_ =	swait.ge [sflag:s26], $0x2800  }
0x71: {  	[sflag:s26] =	ssyncset.done $0x0  }
0x72: {  	[sflag:s26] =	ssyncadd.s32 $0xFFFFD800  }
0x73: {  	[tilespmem:s1], [sflag:$0x2] =	stream.linear.gather [spmem:s24], $0x2800, $0x38;
	[tilespmem:$0x1F800] =	vst v63  }
0x74: {  	_ =	swait.ge [sflag:s26], $0x2800  }
0x75: {  	[sflag:s26] =	ssyncset.done $0x0  }
0x76: {  	[sflag:s26] =	ssyncadd.s32 $0xFFFFD800  }
0x77: {  	[hbm4b:s13+s3] =	stream.linear.scatter [tilespmem:s1], [sflag:$0x2], $0x2800, $0x38;
	[tilespmem:$0x1F800] =	vst v63  }
0x78: {  	_ =	swait.ge [sflag:s26], $0x2800  }
0x79: {  	[sflag:s26] =	ssyncset.done $0x0  }
0x7a: {  	[sflag:s26] =	ssyncadd.s32 $0xFFFFD800  }
0x7b: {  	[tilespmem:s1], [sflag:$0x2] =	stream.linear.gather [spmem:s25], $0x2800, $0x38;
	[tilespmem:$0x1F800] =	vst v63  }
0x7c: {  	s0 =	sadd.s32 $0x1, s0;
	_ =	swait.ge [sflag:s26], $0x2800  }
0x7d: {  	p0 =	sne.s32 s0, s18;
	[sflag:s26] =	ssyncset.done $0x0  }
.Ltmp1:
0x7e: {  	[sflag:s26] =	ssyncadd.s32 $0xFFFFD800;
	(pc) =	sbr.rel @p0 .LBB2_1-.Ltmp1, $4  }
0x7f: {  	[hbm4b:s14+s3] =	stream.linear.scatter [tilespmem:s1], [sflag:$0x2], $0x2800, $0x38;
	[tilespmem:$0x1F800] =	vst v63  }
0x80: {  	_ =	swait.ge [sflag:s26], $0x2800  }
0x81: {  	[sflag:s26] =	ssyncset.done $0x0  }
0x82: {  	[sflag:s26] =	ssyncadd.s32 $0xFFFFD800  }
0x83: {  	_ =	sfence.sel $0x180000  }
0x84: {  	[bflag:$0x0] =	sbarrier.arrive $0xFFFF  }
0x85: {  	_ =	strace $0x9000004A  }
0x86: {  	s0 =	stileid.u32;
	[bflag:$0x2] =	sbarrier.arrive $0xFFFF  }
0x87: {  	p0 =	sne.s32 s0, $0x0;
	s0 =	rddreg [dreg:$0x3]  }
0x88: {  	s0 =	sadd.s32 @!p0 $0x100000, s0  }
0x89: {  	[sflag:s0] =	ssyncadd.tile.s32 @!p0 $0x1;
	_ =	shalt  }
.Lfunc_end2:
_tile_overlayer_lowered:
.L_overlay_start_2:
0x8a: {  	(tag) =	ssettag $0x2  }
0x8b: {  	s0 =	rddreg [dreg:$0x0];
	s2 =	stileid.u32  }
0x8c: {  	s1 =	rddreg [dreg:$0x1];
	p0 =	sne.s32 s2, $0x0  }
0x8d: {  	s3 =	rddreg [dreg:$0x2];
	[bflag:$0x3] =	sbarrier.arrive $0xFFFF;
	s2 =	simm.s32 @!p0 $0x1C02  }
0x8e: {  	[timem:s3], [sflag:s2] =	dma.local @!p0 [hbm:s0], s1  }
0x8f: {  	s0 =	simm.s32 @!p0 $0x2  }
0x90: {  	_ =	swait.ge @!p0 [sflag:s0], s1  }
0x91: {  	s1 =	ssub.s32 @!p0 $0x0, s1;
	[sflag:s0] =	ssyncset.done @!p0 $0x0  }
0x92: {  	[sflag:s0] =	ssyncadd.s32 @!p0 s1  }
0x93: {  	[bflag:$0x3] =	sbarrier.arrive $0xFFFF  }
0x94: {  	_ =	shalt  }

</sc_bundles>
